<compile_context>
chip_gen: v7x
topology: tpu7x:2x2x1
jax: 0.10.2.dev20260603
libtpu: 0.0.44.dev20260713+nightly
codegen_flags: <defaults>
</compile_context>

<pallas_src>
import functools

import jax
import jax.numpy as jnp
from jax import lax
from jax.experimental import pallas as pl
from jax.experimental.pallas import tpu as pltpu
from jax.experimental.pallas import tpu_sc as plsc

N = 10000
E = 320000
D = 128
BN_EPS = 1e-5

NC = 2
NS = 16
NW = NC * NS
CHUNK = 100
N_CHUNKS = E // CHUNK
NCH = N_CHUNKS // NW
ACH = 128
ANCH = 79
A_CHUNKS = NW * ANCH
E_PAD = A_CHUNKS * ACH
NBUF = 4
ROWS_PER_TILE = N // NS

_mesh = plsc.VectorSubcoreMesh(core_axis_name="c", subcore_axis_name="s",
                               num_cores=NC, num_subcores=NS)
_sc_params = pltpu.CompilerParams(use_tc_tiling_on_sc=False)


def _worker_id():
    cid = lax.axis_index("c")
    sid = lax.axis_index("s")
    return sid * NC + cid, cid, sid


@functools.partial(
    pl.kernel,
    out_type=jax.ShapeDtypeStruct((NC, N, 16), jnp.float32),
    mesh=_mesh,
    compiler_params=_sc_params,
    scratch_types=[
        pltpu.VMEM((NCH, CHUNK), jnp.int32),
        pltpu.VMEM((CHUNK, 16), jnp.float32),
        pltpu.VMEM((ROWS_PER_TILE, 16), jnp.float32),
        pltpu.VMEM_SHARED((N, 16), jnp.float32),
        [pltpu.SemaphoreType.DMA for _ in range(4)],
    ],
)
def _sc_degree(col2d_hbm, deg_hbm, cbuf, ones_v, zeros_v, acc_sh, ds_sems):
    wid, cid, sid = _worker_id()
    pltpu.sync_copy(col2d_hbm.at[pl.ds(wid * NCH, NCH)], cbuf)

    def fill(i, _):
        ones_v[i, :] = jnp.ones((16,), jnp.float32)
        return 0

    lax.fori_loop(0, CHUNK, fill, 0)

    def zfill(i, _):
        zeros_v[i, :] = jnp.zeros((16,), jnp.float32)
        return 0

    lax.fori_loop(0, ROWS_PER_TILE, zfill, 0)
    pltpu.sync_copy(zeros_v, acc_sh.at[pl.ds(sid * ROWS_PER_TILE, ROWS_PER_TILE)])
    plsc.subcore_barrier()

    def dscat(k, b):
        return pltpu.async_copy(ones_v, acc_sh.at[cbuf.at[k]], ds_sems[b],
                                add=True)

    def dscat_wait(k, b):
        pltpu.make_async_copy(ones_v, acc_sh.at[cbuf.at[k]], ds_sems[b]).wait()

    for j in range(4):
        dscat(j, j)

    def body(i, _):
        for off in range(4):
            j = 4 * i + off
            dscat_wait(j - 4, off)
            dscat(j, off)
        return 0

    lax.fori_loop(1, NCH // 4, body, 0)
    for off in range(4):
        dscat_wait(NCH - 4 + off, off)
    plsc.subcore_barrier()
    pltpu.sync_copy(
        acc_sh.at[pl.ds(sid * ROWS_PER_TILE, ROWS_PER_TILE)],
        deg_hbm.at[cid, pl.ds(sid * ROWS_PER_TILE, ROWS_PER_TILE)],
    )


@functools.partial(
    pl.kernel,
    out_type=jax.ShapeDtypeStruct((NC, N, D), jnp.bfloat16),
    mesh=_mesh,
    compiler_params=_sc_params,
    scratch_types=[
        pltpu.VMEM((ANCH, ACH), jnp.int32),
        pltpu.VMEM((ANCH, ACH), jnp.int32),
        [pltpu.VMEM((ACH, D), jnp.bfloat16) for _ in range(NBUF)],
        pltpu.VMEM_SHARED((N + ACH, D), jnp.bfloat16),
        [pltpu.SemaphoreType.DMA for _ in range(NBUF)],
        [pltpu.SemaphoreType.DMA for _ in range(NBUF)],
    ],
)
def _sc_aggregate(g_hbm, row2d_hbm, col2d_hbm, out_hbm,
                  rbuf, cbuf, rows, acc_sh, sg, ss):
    wid, cid, sid = _worker_id()
    pltpu.sync_copy(row2d_hbm.at[pl.ds(wid * ANCH, ANCH)], rbuf)
    pltpu.sync_copy(col2d_hbm.at[pl.ds(wid * ANCH, ANCH)], cbuf)

    def zfill(i, _):
        for j in range(D // 32):
            rows[0][i, pl.ds(j * 32, 32)] = jnp.zeros((32,), jnp.bfloat16)
        return 0

    lax.fori_loop(0, ACH, zfill, 0)

    def zcopy(k, _):
        pltpu.sync_copy(
            rows[0], acc_sh.at[pl.ds(sid * ROWS_PER_TILE + k * ACH, ACH)]
        )
        return 0

    lax.fori_loop(0, ROWS_PER_TILE // ACH, zcopy, 0)
    pltpu.sync_copy(
        rows[0].at[pl.ds(0, ROWS_PER_TILE % ACH)],
        acc_sh.at[pl.ds(sid * ROWS_PER_TILE + (ROWS_PER_TILE // ACH) * ACH,
                        ROWS_PER_TILE % ACH)],
    )
    plsc.subcore_barrier()

    def gather(k, b):
        pltpu.async_copy(g_hbm.at[rbuf.at[k]], rows[b], sg[b])

    def gather_wait(k, b):
        pltpu.make_async_copy(g_hbm.at[rbuf.at[k]], rows[b], sg[b]).wait()

    def scatter(k, b):
        pltpu.async_copy(rows[b], acc_sh.at[cbuf.at[k]], ss[b], add=True)

    def scatter_wait(k, b):
        pltpu.make_async_copy(rows[b], acc_sh.at[cbuf.at[k]], ss[b]).wait()

    LAG = NBUF - 2

    def slot(j, b):
        gather_wait(j, b)
        scatter(j, b)
        if isinstance(j, int):
            if j >= LAG:
                scatter_wait(j - LAG, (b - LAG) % NBUF)
            if j + 2 < ANCH:
                gather(j + 2, (b + 2) % NBUF)
        else:
            scatter_wait(j - LAG, (b - LAG) % NBUF)
            gather(j + 2, (b + 2) % NBUF)

    gather(0, 0)
    gather(1, 1)
    for j in range(LAG):
        slot(j, j)

    def octet(i, _):
        for off in range(NBUF):
            j = LAG + NBUF * i + off
            slot(j, (LAG + off) % NBUF)
        return 0

    _n_loop = (ANCH - 2 - LAG) // NBUF
    lax.fori_loop(0, _n_loop, octet, 0)
    for j in range(LAG + NBUF * _n_loop, ANCH):
        slot(j, j % NBUF)
    for k in range(LAG):
        scatter_wait(ANCH - LAG + k, (ANCH - LAG + k) % NBUF)
    plsc.subcore_barrier()
    pltpu.sync_copy(
        acc_sh.at[pl.ds(sid * ROWS_PER_TILE, ROWS_PER_TILE)],
        out_hbm.at[cid, pl.ds(sid * ROWS_PER_TILE, ROWS_PER_TILE)],
    )


ROW_BLOCK = 1000


def _tc_linear_body(deg_ref, x_ref, w_ref, g_ref):
    deg = deg_ref[0, :, 0] + deg_ref[1, :, 0] + 1.0
    dinv = lax.rsqrt(deg)
    h = jnp.dot(x_ref[...], w_ref[...], preferred_element_type=jnp.float32)
    g_ref[...] = (h * dinv[:, None]).astype(jnp.bfloat16)


def _tc_linear(deg, x, W):
    grid = N // ROW_BLOCK
    return pl.pallas_call(
        _tc_linear_body,
        grid=(grid,),
        in_specs=[
            pl.BlockSpec((NC, ROW_BLOCK, 16), lambda i: (0, i, 0)),
            pl.BlockSpec((ROW_BLOCK, D), lambda i: (i, 0)),
            pl.BlockSpec((D, D), lambda i: (0, 0)),
        ],
        out_specs=pl.BlockSpec((ROW_BLOCK, D), lambda i: (i, 0)),
        out_shape=jax.ShapeDtypeStruct((N, D), jnp.bfloat16),
    )(deg, x, W)


def _tc_final_body(part_ref, g_ref, deg_ref, b_ref, gam_ref, bet_ref, o_ref):
    deg = deg_ref[0, :, 0] + deg_ref[1, :, 0] + 1.0
    dinv = lax.rsqrt(deg)
    s = (part_ref[0].astype(jnp.float32) + part_ref[1].astype(jnp.float32)
         + g_ref[...].astype(jnp.float32))
    scale = (1.0 / jnp.sqrt(1.0 + BN_EPS))
    o = (s * dinv[:, None] + b_ref[0]) * (gam_ref[0] * scale) + bet_ref[0]
    o_ref[...] = jnp.maximum(o, 0.0)


def _tc_final(part, g, deg, b, gamma, beta):
    grid = N // ROW_BLOCK
    return pl.pallas_call(
        _tc_final_body,
        grid=(grid,),
        in_specs=[
            pl.BlockSpec((NC, ROW_BLOCK, D), lambda i: (0, i, 0)),
            pl.BlockSpec((ROW_BLOCK, D), lambda i: (i, 0)),
            pl.BlockSpec((NC, ROW_BLOCK, 16), lambda i: (0, i, 0)),
            pl.BlockSpec((1, D), lambda i: (0, 0)),
            pl.BlockSpec((1, D), lambda i: (0, 0)),
            pl.BlockSpec((1, D), lambda i: (0, 0)),
        ],
        out_specs=pl.BlockSpec((ROW_BLOCK, D), lambda i: (i, 0)),
        out_shape=jax.ShapeDtypeStruct((N, D), jnp.float32),
    )(part, g, deg, b, gamma, beta)


def kernel(x, edge_index, W, b, gamma, beta):
    row32 = edge_index[0].astype(jnp.int32)
    col32 = edge_index[1].astype(jnp.int32)
    assert N_CHUNKS == NW * NCH and E_PAD == A_CHUNKS * ACH
    npad = E_PAD - E
    row_pad = jnp.concatenate(
        [row32, jnp.arange(npad, dtype=jnp.int32) % N])
    col_pad = jnp.concatenate(
        [col32, N + (jnp.arange(npad, dtype=jnp.int32) % ACH)])
    deg = _sc_degree(col32.reshape(N_CHUNKS, CHUNK))
    g = _tc_linear(deg, x, W)
    part = _sc_aggregate(g, row_pad.reshape(A_CHUNKS, ACH),
                         col_pad.reshape(A_CHUNKS, ACH))
    return _tc_final(part, g, deg, b.reshape(1, D), gamma.reshape(1, D),
                     beta.reshape(1, D))

# --- scband reference (transcript-rebuilt; emitter-appended) ---
"""Pipeline reference for scband-graph-conv-352187318910 (READ-ONLY COPY).

The authoritative reference and input builder live on the scoring server;
editing this copy changes nothing except your own understanding.
"""

import jax, jax.numpy as jnp
import numpy as np

N_NODES = 10000
N_EDGES = 320000
D_IN = 128
D_OUT = 128
BN_EPS = 1e-5


def setup_inputs(seed: int = 0) -> dict:
    key = jax.random.key(seed)
    k_x, k_e, k_w, k_b = jax.random.split(key, 4)
    x = jax.random.normal(k_x, (N_NODES, D_IN), dtype=jnp.float32)
    edge_index = jax.random.randint(k_e, (2, N_EDGES), 0, N_NODES, dtype=jnp.int64)
    # GCNConv linear weight (stored as [in, out] for x @ W) and bias
    W = jax.random.normal(k_w, (D_IN, D_OUT), dtype=jnp.float32) * (1.0 / np.sqrt(D_IN))
    b = jnp.zeros((D_OUT,), dtype=jnp.float32)
    # BatchNorm1d params (eval mode: running_mean=0, running_var=1)
    gamma = jnp.ones((D_OUT,), dtype=jnp.float32)
    beta = jnp.zeros((D_OUT,), dtype=jnp.float32)
    return {"x": x, "edge_index": edge_index, "W": W, "b": b, "gamma": gamma, "beta": beta}


def reference(x, edge_index, W, b, gamma, beta):
    N = x.shape[0]
    # --- GCNConv: symmetric normalization with self loops ---
    self_loops = jnp.arange(N, dtype=edge_index.dtype)
    row = jnp.concatenate([edge_index[0], self_loops])  # source nodes
    col = jnp.concatenate([edge_index[1], self_loops])  # target nodes
    deg = jnp.zeros((N,), dtype=x.dtype).at[col].add(1.0)
    deg_inv_sqrt = jnp.where(deg > 0, 1.0 / jnp.sqrt(deg), 0.0)
    norm = deg_inv_sqrt[row] * deg_inv_sqrt[col]
    h = x @ W  # linear transform
    msg = h[row] * norm[:, None]  # gather + scale (memory bound)
    out = jax.ops.segment_sum(msg, col, num_segments=N)  # scatter-add
    out = out + b
    # --- BatchNorm1d (eval mode: running_mean=0, running_var=1) ---
    out = (out / jnp.sqrt(1.0 + BN_EPS)) * gamma + beta
    # --- activation (F.relu) ---
    out = jax.nn.relu(out)
    # --- dropout: identity in eval mode ---
    return out

if __name__ == "__main__":
    import jax
    _d = setup_inputs()
    print(jax.jit(kernel)(*tuple(_d.values())))

</pallas_src>

<mosaic_0001>
#map = affine_map<(d0, d1) -> (0, 0)>
#map1 = affine_map<(d0, d1) -> (0, 0, 0)>
module attributes {stable_mosaic.version = 14 : i64} {
  func.func @_sc_degree(%arg0: i32, %arg1: i32, %arg2: memref<3200x100xi32, #tpu.memory_space<hbm>>, %arg3: memref<2x10000x16xf32, #tpu.memory_space<hbm>>, %arg4: memref<100x100xi32, #tpu.memory_space<vmem>>, %arg5: memref<100x16xf32, #tpu.memory_space<vmem>>, %arg6: memref<625x16xf32, #tpu.memory_space<vmem>>, %arg7: memref<10000x16xf32, #tpu.memory_space<vmem_shared>>, %arg8: memref<!tpu.dma_semaphore, #tpu.memory_space<semaphore_mem>>, %arg9: memref<!tpu.dma_semaphore, #tpu.memory_space<semaphore_mem>>, %arg10: memref<!tpu.dma_semaphore, #tpu.memory_space<semaphore_mem>>, %arg11: memref<!tpu.dma_semaphore, #tpu.memory_space<semaphore_mem>>) attributes {dimension_semantics = [#tpu.dimension_semantics<core_parallel>, #tpu.dimension_semantics<subcore_parallel>], iteration_bounds = array<i64: 2, 16>, scalar_prefetch = 0 : i64, scratch_operands = 8 : i64, tpu.core_type = #tpu.core_type<sc_vector_subcore>, window_params = [{transform_indices = #map}, {transform_indices = #map1}]} {
    %mul3A = arith.constant 2 : i32
    %mul3A_0 = arith.muli %arg1, %mul3A : i32
    %add3A = arith.addi %mul3A_0, %arg0 : i32
    %mul3A_1 = arith.constant 100 : i32
    %mul3A_2 = arith.muli %add3A, %mul3A_1 : i32
    "tpu.region"() ({
      %run_scoped3A = tpu.sem_alloc : memref<!tpu.dma_semaphore, #tpu.memory_space<semaphore_mem>>
      %dma_start3A_84 = arith.constant 0 : i32
      %dma_start3A_85 = tpu.memref_slice %arg2[%mul3A_2, %dma_start3A_84] : memref<3200x100xi32, #tpu.memory_space<hbm>> -> memref<100x100xi32, #tpu.memory_space<hbm>>
      %dma_start3A_86 = arith.constant 0 : i32
      %dma_start3A_87 = tpu.memref_slice %arg2[%mul3A_2, %dma_start3A_86] : memref<3200x100xi32, #tpu.memory_space<hbm>> -> memref<100x100xi32, #tpu.memory_space<hbm>>
      tpu.enqueue_dma source(%dma_start3A_87 : memref<100x100xi32, #tpu.memory_space<hbm>>) target(%arg4 : memref<100x100xi32, #tpu.memory_space<vmem>>) target_semaphore(%run_scoped3A : memref<!tpu.dma_semaphore, #tpu.memory_space<semaphore_mem>>)
      %dma_wait3A_88 = arith.constant 0 : i32
      %dma_wait3A_89 = tpu.memref_slice %arg2[%mul3A_2, %dma_wait3A_88] : memref<3200x100xi32, #tpu.memory_space<hbm>> -> memref<100x100xi32, #tpu.memory_space<hbm>>
      %dma_wait3A_90 = arith.constant 0 : i32
      %dma_wait3A_91 = tpu.memref_slice %arg2[%mul3A_2, %dma_wait3A_90] : memref<3200x100xi32, #tpu.memory_space<hbm>> -> memref<100x100xi32, #tpu.memory_space<hbm>>
      tpu.wait_dma2 semaphore(%run_scoped3A : memref<!tpu.dma_semaphore, #tpu.memory_space<semaphore_mem>>) src(%dma_wait3A_91 : memref<100x100xi32, #tpu.memory_space<hbm>>) dst(%arg4 : memref<100x100xi32, #tpu.memory_space<vmem>>)
      tpu.yield
    }) : () -> ()
    %scan3A = arith.constant 0 : i32
    %scan3A_3 = arith.constant 0 : i32
    %scan3A_4 = arith.constant 100 : i32
    %scan3A_5 = arith.addi %scan3A_3, %scan3A_4 : i32
    %scan3A_6 = arith.constant 1 : i32
    %scan3A_7 = scf.for %scan3A_84 = %scan3A_3 to %scan3A_5 step %scan3A_6 iter_args(%scan3A_85 = %scan3A) -> (i32)  : i32 {
      %broadcast_in_dim3A = arith.constant 1.000000e+00 : f32
      %broadcast_in_dim3A_86 = vector.broadcast %broadcast_in_dim3A : f32 to vector<16xf32>
      %swap3A = arith.index_cast %scan3A_84 : i32 to index
      %swap3A_87 = arith.constant 0 : index
      %swap3A_88 = tpu.vector_load %arg5[%swap3A, %swap3A_87] {strides = array<i32>} : memref<100x16xf32, #tpu.memory_space<vmem>>, vector<1x16xf32>,
      %swap3A_89 = vector.shape_cast %swap3A_88 : vector<1x16xf32> to vector<16xf32>
      %swap3A_90 = vector.shape_cast %broadcast_in_dim3A_86 : vector<16xf32> to vector<1x16xf32>
      tpu.vector_store %arg5[%swap3A, %swap3A_87], %swap3A_90 {strides = array<i32>} : memref<100x16xf32, #tpu.memory_space<vmem>>, vector<1x16xf32>,
      %scan3A_91 = arith.constant 0 : i32
      scf.yield %scan3A_91 : i32
    }
    %scan3A_8 = arith.constant 100 : i32
    %scan3A_9 = arith.constant 0 : i32
    %scan3A_10 = arith.constant 0 : i32
    %scan3A_11 = arith.constant 625 : i32
    %scan3A_12 = arith.addi %scan3A_10, %scan3A_11 : i32
    %scan3A_13 = arith.constant 1 : i32
    %scan3A_14 = scf.for %scan3A_84 = %scan3A_10 to %scan3A_12 step %scan3A_13 iter_args(%scan3A_85 = %scan3A_9) -> (i32)  : i32 {
      %broadcast_in_dim3A = arith.constant 0.000000e+00 : f32
      %broadcast_in_dim3A_86 = vector.broadcast %broadcast_in_dim3A : f32 to vector<16xf32>
      %swap3A = arith.index_cast %scan3A_84 : i32 to index
      %swap3A_87 = arith.constant 0 : index
      %swap3A_88 = tpu.vector_load %arg6[%swap3A, %swap3A_87] {strides = array<i32>} : memref<625x16xf32, #tpu.memory_space<vmem>>, vector<1x16xf32>,
      %swap3A_89 = vector.shape_cast %swap3A_88 : vector<1x16xf32> to vector<16xf32>
      %swap3A_90 = vector.shape_cast %broadcast_in_dim3A_86 : vector<16xf32> to vector<1x16xf32>
      tpu.vector_store %arg6[%swap3A, %swap3A_87], %swap3A_90 {strides = array<i32>} : memref<625x16xf32, #tpu.memory_space<vmem>>, vector<1x16xf32>,
      %scan3A_91 = arith.constant 0 : i32
      scf.yield %scan3A_91 : i32
    }
    %scan3A_15 = arith.constant 625 : i32
    %mul3A_16 = arith.constant 625 : i32
    %mul3A_17 = arith.muli %arg1, %mul3A_16 : i32
    "tpu.region"() ({
      %run_scoped3A = tpu.sem_alloc : memref<!tpu.dma_semaphore, #tpu.memory_space<semaphore_mem>>
      %dma_start3A_84 = arith.constant 0 : i32
      %dma_start3A_85 = tpu.memref_slice %arg7[%mul3A_17, %dma_start3A_84] : memref<10000x16xf32, #tpu.memory_space<vmem_shared>> -> memref<625x16xf32, #tpu.memory_space<vmem_shared>>
      %dma_start3A_86 = arith.constant 0 : i32
      %dma_start3A_87 = tpu.memref_slice %arg7[%mul3A_17, %dma_start3A_86] : memref<10000x16xf32, #tpu.memory_space<vmem_shared>> -> memref<625x16xf32, #tpu.memory_space<vmem_shared>>
      tpu.enqueue_dma source(%arg6 : memref<625x16xf32, #tpu.memory_space<vmem>>) target(%dma_start3A_87 : memref<625x16xf32, #tpu.memory_space<vmem_shared>>) target_semaphore(%run_scoped3A : memref<!tpu.dma_semaphore, #tpu.memory_space<semaphore_mem>>)
      %dma_wait3A_88 = arith.constant 0 : i32
      %dma_wait3A_89 = tpu.memref_slice %arg7[%mul3A_17, %dma_wait3A_88] : memref<10000x16xf32, #tpu.memory_space<vmem_shared>> -> memref<625x16xf32, #tpu.memory_space<vmem_shared>>
      %dma_wait3A_90 = arith.constant 0 : i32
      %dma_wait3A_91 = tpu.memref_slice %arg7[%mul3A_17, %dma_wait3A_90] : memref<10000x16xf32, #tpu.memory_space<vmem_shared>> -> memref<625x16xf32, #tpu.memory_space<vmem_shared>>
      tpu.wait_dma2 semaphore(%run_scoped3A : memref<!tpu.dma_semaphore, #tpu.memory_space<semaphore_mem>>) src(%arg6 : memref<625x16xf32, #tpu.memory_space<vmem>>) dst(%dma_wait3A_91 : memref<625x16xf32, #tpu.memory_space<vmem_shared>>)
      tpu.yield
    }) : () -> ()
    %barrier3A = arith.constant 0 : index
    tpu.barrier barrier_id(%barrier3A)
    %dma_start3A = arith.constant 0 : i32
    %dma_start3A_18 = arith.constant 0 : i32
    %dma_start3A_19 = tpu.memref_slice %arg4[%dma_start3A, %dma_start3A_18] : memref<100x100xi32, #tpu.memory_space<vmem>> -> memref<1x100xi32, #tpu.memory_space<vmem>>
    %dma_start3A_20 = tpu.memref_squeeze %dma_start3A_19 : memref<1x100xi32, #tpu.memory_space<vmem>> -> memref<100xi32, #tpu.memory_space<vmem>>
    %dma_start3A_21 = arith.constant 0 : i32
    %dma_start3A_22 = arith.constant 0 : i32
    %dma_start3A_23 = tpu.memref_slice %arg7[%dma_start3A_21, %dma_start3A_22] : memref<10000x16xf32, #tpu.memory_space<vmem_shared>> -> memref<10000x16xf32, #tpu.memory_space<vmem_shared>>
    tpu.enqueue_indirect_dma source(%arg5 : memref<100x16xf32, #tpu.memory_space<vmem>>) target(%dma_start3A_23 : memref<10000x16xf32, #tpu.memory_space<vmem_shared>>) offsets(%dma_start3A_20 : memref<100xi32, #tpu.memory_space<vmem>>) semaphore(%arg8 : memref<!tpu.dma_semaphore, #tpu.memory_space<semaphore_mem>>) {add = true}
    %dma_start3A_24 = arith.constant 1 : i32
    %dma_start3A_25 = arith.constant 0 : i32
    %dma_start3A_26 = tpu.memref_slice %arg4[%dma_start3A_24, %dma_start3A_25] : memref<100x100xi32, #tpu.memory_space<vmem>> -> memref<1x100xi32, #tpu.memory_space<vmem>>
    %dma_start3A_27 = tpu.memref_squeeze %dma_start3A_26 : memref<1x100xi32, #tpu.memory_space<vmem>> -> memref<100xi32, #tpu.memory_space<vmem>>
    %dma_start3A_28 = arith.constant 0 : i32
    %dma_start3A_29 = arith.constant 0 : i32
    %dma_start3A_30 = tpu.memref_slice %arg7[%dma_start3A_28, %dma_start3A_29] : memref<10000x16xf32, #tpu.memory_space<vmem_shared>> -> memref<10000x16xf32, #tpu.memory_space<vmem_shared>>
    tpu.enqueue_indirect_dma source(%arg5 : memref<100x16xf32, #tpu.memory_space<vmem>>) target(%dma_start3A_30 : memref<10000x16xf32, #tpu.memory_space<vmem_shared>>) offsets(%dma_start3A_27 : memref<100xi32, #tpu.memory_space<vmem>>) semaphore(%arg9 : memref<!tpu.dma_semaphore, #tpu.memory_space<semaphore_mem>>) {add = true}
    %dma_start3A_31 = arith.constant 2 : i32
    %dma_start3A_32 = arith.constant 0 : i32
    %dma_start3A_33 = tpu.memref_slice %arg4[%dma_start3A_31, %dma_start3A_32] : memref<100x100xi32, #tpu.memory_space<vmem>> -> memref<1x100xi32, #tpu.memory_space<vmem>>
    %dma_start3A_34 = tpu.memref_squeeze %dma_start3A_33 : memref<1x100xi32, #tpu.memory_space<vmem>> -> memref<100xi32, #tpu.memory_space<vmem>>
    %dma_start3A_35 = arith.constant 0 : i32
    %dma_start3A_36 = arith.constant 0 : i32
    %dma_start3A_37 = tpu.memref_slice %arg7[%dma_start3A_35, %dma_start3A_36] : memref<10000x16xf32, #tpu.memory_space<vmem_shared>> -> memref<10000x16xf32, #tpu.memory_space<vmem_shared>>
    tpu.enqueue_indirect_dma source(%arg5 : memref<100x16xf32, #tpu.memory_space<vmem>>) target(%dma_start3A_37 : memref<10000x16xf32, #tpu.memory_space<vmem_shared>>) offsets(%dma_start3A_34 : memref<100xi32, #tpu.memory_space<vmem>>) semaphore(%arg10 : memref<!tpu.dma_semaphore, #tpu.memory_space<semaphore_mem>>) {add = true}
    %dma_start3A_38 = arith.constant 3 : i32
    %dma_start3A_39 = arith.constant 0 : i32
    %dma_start3A_40 = tpu.memref_slice %arg4[%dma_start3A_38, %dma_start3A_39] : memref<100x100xi32, #tpu.memory_space<vmem>> -> memref<1x100xi32, #tpu.memory_space<vmem>>
    %dma_start3A_41 = tpu.memref_squeeze %dma_start3A_40 : memref<1x100xi32, #tpu.memory_space<vmem>> -> memref<100xi32, #tpu.memory_space<vmem>>
    %dma_start3A_42 = arith.constant 0 : i32
    %dma_start3A_43 = arith.constant 0 : i32
    %dma_start3A_44 = tpu.memref_slice %arg7[%dma_start3A_42, %dma_start3A_43] : memref<10000x16xf32, #tpu.memory_space<vmem_shared>> -> memref<10000x16xf32, #tpu.memory_space<vmem_shared>>
    tpu.enqueue_indirect_dma source(%arg5 : memref<100x16xf32, #tpu.memory_space<vmem>>) target(%dma_start3A_44 : memref<10000x16xf32, #tpu.memory_space<vmem_shared>>) offsets(%dma_start3A_41 : memref<100xi32, #tpu.memory_space<vmem>>) semaphore(%arg11 : memref<!tpu.dma_semaphore, #tpu.memory_space<semaphore_mem>>) {add = true}
    %scan3A_45 = arith.constant 0 : i32
    %scan3A_46 = arith.constant 1 : i32
    %scan3A_47 = arith.constant 24 : i32
    %scan3A_48 = arith.addi %scan3A_46, %scan3A_47 : i32
    %scan3A_49 = arith.constant 1 : i32
    %scan3A_50 = scf.for %scan3A_84 = %scan3A_46 to %scan3A_48 step %scan3A_49 iter_args(%scan3A_85 = %scan3A_45) -> (i32)  : i32 {
      %mul3A_86 = arith.constant 4 : i32
      %mul3A_87 = arith.muli %mul3A_86, %scan3A_84 : i32
      %add3A_88 = arith.constant 0 : i32
      %add3A_89 = arith.addi %mul3A_87, %add3A_88 : i32
      %sub3A = arith.constant 4 : i32
      %sub3A_90 = arith.subi %add3A_89, %sub3A : i32
      %dma_wait3A_91 = arith.constant 0 : i32
      %dma_wait3A_92 = tpu.memref_slice %arg4[%sub3A_90, %dma_wait3A_91] : memref<100x100xi32, #tpu.memory_space<vmem>> -> memref<1x100xi32, #tpu.memory_space<vmem>>
      %dma_wait3A_93 = tpu.memref_squeeze %dma_wait3A_92 : memref<1x100xi32, #tpu.memory_space<vmem>> -> memref<100xi32, #tpu.memory_space<vmem>>
      %dma_wait3A_94 = arith.constant 0 : i32
      %dma_wait3A_95 = arith.constant 0 : i32
      %dma_wait3A_96 = tpu.memref_slice %arg7[%dma_wait3A_94, %dma_wait3A_95] : memref<10000x16xf32, #tpu.memory_space<vmem_shared>> -> memref<10000x16xf32, #tpu.memory_space<vmem_shared>>
      tpu.wait_indirect_dma semaphore(%arg8 : memref<!tpu.dma_semaphore, #tpu.memory_space<semaphore_mem>>) src(%arg5 : memref<100x16xf32, #tpu.memory_space<vmem>>) dst(%dma_wait3A_96 : memref<10000x16xf32, #tpu.memory_space<vmem_shared>>)
      %dma_start3A_97 = arith.constant 0 : i32
      %dma_start3A_98 = tpu.memref_slice %arg4[%add3A_89, %dma_start3A_97] : memref<100x100xi32, #tpu.memory_space<vmem>> -> memref<1x100xi32, #tpu.memory_space<vmem>>
      %dma_start3A_99 = tpu.memref_squeeze %dma_start3A_98 : memref<1x100xi32, #tpu.memory_space<vmem>> -> memref<100xi32, #tpu.memory_space<vmem>>
      %dma_start3A_100 = arith.constant 0 : i32
      %dma_start3A_101 = arith.constant 0 : i32
      %dma_start3A_102 = tpu.memref_slice %arg7[%dma_start3A_100, %dma_start3A_101] : memref<10000x16xf32, #tpu.memory_space<vmem_shared>> -> memref<10000x16xf32, #tpu.memory_space<vmem_shared>>
      tpu.enqueue_indirect_dma source(%arg5 : memref<100x16xf32, #tpu.memory_space<vmem>>) target(%dma_start3A_102 : memref<10000x16xf32, #tpu.memory_space<vmem_shared>>) offsets(%dma_start3A_99 : memref<100xi32, #tpu.memory_space<vmem>>) semaphore(%arg8 : memref<!tpu.dma_semaphore, #tpu.memory_space<semaphore_mem>>) {add = true}
      %mul3A_103 = arith.constant 4 : i32
      %mul3A_104 = arith.muli %mul3A_103, %scan3A_84 : i32
      %add3A_105 = arith.constant 1 : i32
      %add3A_106 = arith.addi %mul3A_104, %add3A_105 : i32
      %sub3A_107 = arith.constant 4 : i32
      %sub3A_108 = arith.subi %add3A_106, %sub3A_107 : i32
      %dma_wait3A_109 = arith.constant 0 : i32
      %dma_wait3A_110 = tpu.memref_slice %arg4[%sub3A_108, %dma_wait3A_109] : memref<100x100xi32, #tpu.memory_space<vmem>> -> memref<1x100xi32, #tpu.memory_space<vmem>>
      %dma_wait3A_111 = tpu.memref_squeeze %dma_wait3A_110 : memref<1x100xi32, #tpu.memory_space<vmem>> -> memref<100xi32, #tpu.memory_space<vmem>>
      %dma_wait3A_112 = arith.constant 0 : i32
      %dma_wait3A_113 = arith.constant 0 : i32
      %dma_wait3A_114 = tpu.memref_slice %arg7[%dma_wait3A_112, %dma_wait3A_113] : memref<10000x16xf32, #tpu.memory_space<vmem_shared>> -> memref<10000x16xf32, #tpu.memory_space<vmem_shared>>
      tpu.wait_indirect_dma semaphore(%arg9 : memref<!tpu.dma_semaphore, #tpu.memory_space<semaphore_mem>>) src(%arg5 : memref<100x16xf32, #tpu.memory_space<vmem>>) dst(%dma_wait3A_114 : memref<10000x16xf32, #tpu.memory_space<vmem_shared>>)
      %dma_start3A_115 = arith.constant 0 : i32
      %dma_start3A_116 = tpu.memref_slice %arg4[%add3A_106, %dma_start3A_115] : memref<100x100xi32, #tpu.memory_space<vmem>> -> memref<1x100xi32, #tpu.memory_space<vmem>>
      %dma_start3A_117 = tpu.memref_squeeze %dma_start3A_116 : memref<1x100xi32, #tpu.memory_space<vmem>> -> memref<100xi32, #tpu.memory_space<vmem>>
      %dma_start3A_118 = arith.constant 0 : i32
      %dma_start3A_119 = arith.constant 0 : i32
      %dma_start3A_120 = tpu.memref_slice %arg7[%dma_start3A_118, %dma_start3A_119] : memref<10000x16xf32, #tpu.memory_space<vmem_shared>> -> memref<10000x16xf32, #tpu.memory_space<vmem_shared>>
      tpu.enqueue_indirect_dma source(%arg5 : memref<100x16xf32, #tpu.memory_space<vmem>>) target(%dma_start3A_120 : memref<10000x16xf32, #tpu.memory_space<vmem_shared>>) offsets(%dma_start3A_117 : memref<100xi32, #tpu.memory_space<vmem>>) semaphore(%arg9 : memref<!tpu.dma_semaphore, #tpu.memory_space<semaphore_mem>>) {add = true}
      %mul3A_121 = arith.constant 4 : i32
      %mul3A_122 = arith.muli %mul3A_121, %scan3A_84 : i32
      %add3A_123 = arith.constant 2 : i32
      %add3A_124 = arith.addi %mul3A_122, %add3A_123 : i32
      %sub3A_125 = arith.constant 4 : i32
      %sub3A_126 = arith.subi %add3A_124, %sub3A_125 : i32
      %dma_wait3A_127 = arith.constant 0 : i32
      %dma_wait3A_128 = tpu.memref_slice %arg4[%sub3A_126, %dma_wait3A_127] : memref<100x100xi32, #tpu.memory_space<vmem>> -> memref<1x100xi32, #tpu.memory_space<vmem>>
      %dma_wait3A_129 = tpu.memref_squeeze %dma_wait3A_128 : memref<1x100xi32, #tpu.memory_space<vmem>> -> memref<100xi32, #tpu.memory_space<vmem>>
      %dma_wait3A_130 = arith.constant 0 : i32
      %dma_wait3A_131 = arith.constant 0 : i32
      %dma_wait3A_132 = tpu.memref_slice %arg7[%dma_wait3A_130, %dma_wait3A_131] : memref<10000x16xf32, #tpu.memory_space<vmem_shared>> -> memref<10000x16xf32, #tpu.memory_space<vmem_shared>>
      tpu.wait_indirect_dma semaphore(%arg10 : memref<!tpu.dma_semaphore, #tpu.memory_space<semaphore_mem>>) src(%arg5 : memref<100x16xf32, #tpu.memory_space<vmem>>) dst(%dma_wait3A_132 : memref<10000x16xf32, #tpu.memory_space<vmem_shared>>)
      %dma_start3A_133 = arith.constant 0 : i32
      %dma_start3A_134 = tpu.memref_slice %arg4[%add3A_124, %dma_start3A_133] : memref<100x100xi32, #tpu.memory_space<vmem>> -> memref<1x100xi32, #tpu.memory_space<vmem>>
      %dma_start3A_135 = tpu.memref_squeeze %dma_start3A_134 : memref<1x100xi32, #tpu.memory_space<vmem>> -> memref<100xi32, #tpu.memory_space<vmem>>
      %dma_start3A_136 = arith.constant 0 : i32
      %dma_start3A_137 = arith.constant 0 : i32
      %dma_start3A_138 = tpu.memref_slice %arg7[%dma_start3A_136, %dma_start3A_137] : memref<10000x16xf32, #tpu.memory_space<vmem_shared>> -> memref<10000x16xf32, #tpu.memory_space<vmem_shared>>
      tpu.enqueue_indirect_dma source(%arg5 : memref<100x16xf32, #tpu.memory_space<vmem>>) target(%dma_start3A_138 : memref<10000x16xf32, #tpu.memory_space<vmem_shared>>) offsets(%dma_start3A_135 : memref<100xi32, #tpu.memory_space<vmem>>) semaphore(%arg10 : memref<!tpu.dma_semaphore, #tpu.memory_space<semaphore_mem>>) {add = true}
      %mul3A_139 = arith.constant 4 : i32
      %mul3A_140 = arith.muli %mul3A_139, %scan3A_84 : i32
      %add3A_141 = arith.constant 3 : i32
      %add3A_142 = arith.addi %mul3A_140, %add3A_141 : i32
      %sub3A_143 = arith.constant 4 : i32
      %sub3A_144 = arith.subi %add3A_142, %sub3A_143 : i32
      %dma_wait3A_145 = arith.constant 0 : i32
      %dma_wait3A_146 = tpu.memref_slice %arg4[%sub3A_144, %dma_wait3A_145] : memref<100x100xi32, #tpu.memory_space<vmem>> -> memref<1x100xi32, #tpu.memory_space<vmem>>
      %dma_wait3A_147 = tpu.memref_squeeze %dma_wait3A_146 : memref<1x100xi32, #tpu.memory_space<vmem>> -> memref<100xi32, #tpu.memory_space<vmem>>
      %dma_wait3A_148 = arith.constant 0 : i32
      %dma_wait3A_149 = arith.constant 0 : i32
      %dma_wait3A_150 = tpu.memref_slice %arg7[%dma_wait3A_148, %dma_wait3A_149] : memref<10000x16xf32, #tpu.memory_space<vmem_shared>> -> memref<10000x16xf32, #tpu.memory_space<vmem_shared>>
      tpu.wait_indirect_dma semaphore(%arg11 : memref<!tpu.dma_semaphore, #tpu.memory_space<semaphore_mem>>) src(%arg5 : memref<100x16xf32, #tpu.memory_space<vmem>>) dst(%dma_wait3A_150 : memref<10000x16xf32, #tpu.memory_space<vmem_shared>>)
      %dma_start3A_151 = arith.constant 0 : i32
      %dma_start3A_152 = tpu.memref_slice %arg4[%add3A_142, %dma_start3A_151] : memref<100x100xi32, #tpu.memory_space<vmem>> -> memref<1x100xi32, #tpu.memory_space<vmem>>
      %dma_start3A_153 = tpu.memref_squeeze %dma_start3A_152 : memref<1x100xi32, #tpu.memory_space<vmem>> -> memref<100xi32, #tpu.memory_space<vmem>>
      %dma_start3A_154 = arith.constant 0 : i32
      %dma_start3A_155 = arith.constant 0 : i32
      %dma_start3A_156 = tpu.memref_slice %arg7[%dma_start3A_154, %dma_start3A_155] : memref<10000x16xf32, #tpu.memory_space<vmem_shared>> -> memref<10000x16xf32, #tpu.memory_space<vmem_shared>>
      tpu.enqueue_indirect_dma source(%arg5 : memref<100x16xf32, #tpu.memory_space<vmem>>) target(%dma_start3A_156 : memref<10000x16xf32, #tpu.memory_space<vmem_shared>>) offsets(%dma_start3A_153 : memref<100xi32, #tpu.memory_space<vmem>>) semaphore(%arg11 : memref<!tpu.dma_semaphore, #tpu.memory_space<semaphore_mem>>) {add = true}
      %scan3A_157 = arith.constant 0 : i32
      scf.yield %scan3A_157 : i32
    }
    %scan3A_51 = arith.constant 24 : i32
    %dma_wait3A = arith.constant 96 : i32
    %dma_wait3A_52 = arith.constant 0 : i32
    %dma_wait3A_53 = tpu.memref_slice %arg4[%dma_wait3A, %dma_wait3A_52] : memref<100x100xi32, #tpu.memory_space<vmem>> -> memref<1x100xi32, #tpu.memory_space<vmem>>
    %dma_wait3A_54 = tpu.memref_squeeze %dma_wait3A_53 : memref<1x100xi32, #tpu.memory_space<vmem>> -> memref<100xi32, #tpu.memory_space<vmem>>
    %dma_wait3A_55 = arith.constant 0 : i32
    %dma_wait3A_56 = arith.constant 0 : i32
    %dma_wait3A_57 = tpu.memref_slice %arg7[%dma_wait3A_55, %dma_wait3A_56] : memref<10000x16xf32, #tpu.memory_space<vmem_shared>> -> memref<10000x16xf32, #tpu.memory_space<vmem_shared>>
    tpu.wait_indirect_dma semaphore(%arg8 : memref<!tpu.dma_semaphore, #tpu.memory_space<semaphore_mem>>) src(%arg5 : memref<100x16xf32, #tpu.memory_space<vmem>>) dst(%dma_wait3A_57 : memref<10000x16xf32, #tpu.memory_space<vmem_shared>>)
    %dma_wait3A_58 = arith.constant 97 : i32
    %dma_wait3A_59 = arith.constant 0 : i32
    %dma_wait3A_60 = tpu.memref_slice %arg4[%dma_wait3A_58, %dma_wait3A_59] : memref<100x100xi32, #tpu.memory_space<vmem>> -> memref<1x100xi32, #tpu.memory_space<vmem>>
    %dma_wait3A_61 = tpu.memref_squeeze %dma_wait3A_60 : memref<1x100xi32, #tpu.memory_space<vmem>> -> memref<100xi32, #tpu.memory_space<vmem>>
    %dma_wait3A_62 = arith.constant 0 : i32
    %dma_wait3A_63 = arith.constant 0 : i32
    %dma_wait3A_64 = tpu.memref_slice %arg7[%dma_wait3A_62, %dma_wait3A_63] : memref<10000x16xf32, #tpu.memory_space<vmem_shared>> -> memref<10000x16xf32, #tpu.memory_space<vmem_shared>>
    tpu.wait_indirect_dma semaphore(%arg9 : memref<!tpu.dma_semaphore, #tpu.memory_space<semaphore_mem>>) src(%arg5 : memref<100x16xf32, #tpu.memory_space<vmem>>) dst(%dma_wait3A_64 : memref<10000x16xf32, #tpu.memory_space<vmem_shared>>)
    %dma_wait3A_65 = arith.constant 98 : i32
    %dma_wait3A_66 = arith.constant 0 : i32
    %dma_wait3A_67 = tpu.memref_slice %arg4[%dma_wait3A_65, %dma_wait3A_66] : memref<100x100xi32, #tpu.memory_space<vmem>> -> memref<1x100xi32, #tpu.memory_space<vmem>>
    %dma_wait3A_68 = tpu.memref_squeeze %dma_wait3A_67 : memref<1x100xi32, #tpu.memory_space<vmem>> -> memref<100xi32, #tpu.memory_space<vmem>>
    %dma_wait3A_69 = arith.constant 0 : i32
    %dma_wait3A_70 = arith.constant 0 : i32
    %dma_wait3A_71 = tpu.memref_slice %arg7[%dma_wait3A_69, %dma_wait3A_70] : memref<10000x16xf32, #tpu.memory_space<vmem_shared>> -> memref<10000x16xf32, #tpu.memory_space<vmem_shared>>
    tpu.wait_indirect_dma semaphore(%arg10 : memref<!tpu.dma_semaphore, #tpu.memory_space<semaphore_mem>>) src(%arg5 : memref<100x16xf32, #tpu.memory_space<vmem>>) dst(%dma_wait3A_71 : memref<10000x16xf32, #tpu.memory_space<vmem_shared>>)
    %dma_wait3A_72 = arith.constant 99 : i32
    %dma_wait3A_73 = arith.constant 0 : i32
    %dma_wait3A_74 = tpu.memref_slice %arg4[%dma_wait3A_72, %dma_wait3A_73] : memref<100x100xi32, #tpu.memory_space<vmem>> -> memref<1x100xi32, #tpu.memory_space<vmem>>
    %dma_wait3A_75 = tpu.memref_squeeze %dma_wait3A_74 : memref<1x100xi32, #tpu.memory_space<vmem>> -> memref<100xi32, #tpu.memory_space<vmem>>
    %dma_wait3A_76 = arith.constant 0 : i32
    %dma_wait3A_77 = arith.constant 0 : i32
    %dma_wait3A_78 = tpu.memref_slice %arg7[%dma_wait3A_76, %dma_wait3A_77] : memref<10000x16xf32, #tpu.memory_space<vmem_shared>> -> memref<10000x16xf32, #tpu.memory_space<vmem_shared>>
    tpu.wait_indirect_dma semaphore(%arg11 : memref<!tpu.dma_semaphore, #tpu.memory_space<semaphore_mem>>) src(%arg5 : memref<100x16xf32, #tpu.memory_space<vmem>>) dst(%dma_wait3A_78 : memref<10000x16xf32, #tpu.memory_space<vmem_shared>>)
    %barrier3A_79 = arith.constant 0 : index
    tpu.barrier barrier_id(%barrier3A_79)
    %mul3A_80 = arith.constant 625 : i32
    %mul3A_81 = arith.muli %arg1, %mul3A_80 : i32
    %mul3A_82 = arith.constant 625 : i32
    %mul3A_83 = arith.muli %arg1, %mul3A_82 : i32
    "tpu.region"() ({
      %run_scoped3A = tpu.sem_alloc : memref<!tpu.dma_semaphore, #tpu.memory_space<semaphore_mem>>
      %dma_start3A_84 = arith.constant 0 : i32
      %dma_start3A_85 = tpu.memref_slice %arg3[%arg0, %mul3A_83, %dma_start3A_84] : memref<2x10000x16xf32, #tpu.memory_space<hbm>> -> memref<1x625x16xf32, #tpu.memory_space<hbm>>
      %dma_start3A_86 = tpu.memref_squeeze %dma_start3A_85 : memref<1x625x16xf32, #tpu.memory_space<hbm>> -> memref<625x16xf32, #tpu.memory_space<hbm>>
      %dma_start3A_87 = arith.constant 0 : i32
      %dma_start3A_88 = tpu.memref_slice %arg7[%mul3A_81, %dma_start3A_87] : memref<10000x16xf32, #tpu.memory_space<vmem_shared>> -> memref<625x16xf32, #tpu.memory_space<vmem_shared>>
      tpu.enqueue_dma source(%dma_start3A_88 : memref<625x16xf32, #tpu.memory_space<vmem_shared>>) target(%dma_start3A_86 : memref<625x16xf32, #tpu.memory_space<hbm>>) target_semaphore(%run_scoped3A : memref<!tpu.dma_semaphore, #tpu.memory_space<semaphore_mem>>)
      %dma_wait3A_89 = arith.constant 0 : i32
      %dma_wait3A_90 = tpu.memref_slice %arg3[%arg0, %mul3A_83, %dma_wait3A_89] : memref<2x10000x16xf32, #tpu.memory_space<hbm>> -> memref<1x625x16xf32, #tpu.memory_space<hbm>>
      %dma_wait3A_91 = tpu.memref_squeeze %dma_wait3A_90 : memref<1x625x16xf32, #tpu.memory_space<hbm>> -> memref<625x16xf32, #tpu.memory_space<hbm>>
      %dma_wait3A_92 = arith.constant 0 : i32
      %dma_wait3A_93 = tpu.memref_slice %arg7[%mul3A_81, %dma_wait3A_92] : memref<10000x16xf32, #tpu.memory_space<vmem_shared>> -> memref<625x16xf32, #tpu.memory_space<vmem_shared>>
      tpu.wait_dma2 semaphore(%run_scoped3A : memref<!tpu.dma_semaphore, #tpu.memory_space<semaphore_mem>>) src(%dma_wait3A_93 : memref<625x16xf32, #tpu.memory_space<vmem_shared>>) dst(%dma_wait3A_91 : memref<625x16xf32, #tpu.memory_space<hbm>>)
      tpu.yield
    }) : () -> ()
    return
  }
}

#map = affine_map<(d0, d1) -> (0, 0)>
#map1 = affine_map<(d0, d1) -> (0, 0, 0)>
module attributes {stable_mosaic.version = 14 : i64} {
  func.func @_sc_aggregate(%arg0: i32, %arg1: i32, %arg2: memref<10000x128xbf16, #tpu.memory_space<hbm>>, %arg3: memref<2528x128xi32, #tpu.memory_space<hbm>>, %arg4: memref<2528x128xi32, #tpu.memory_space<hbm>>, %arg5: memref<2x10000x128xbf16, #tpu.memory_space<hbm>>, %arg6: memref<79x128xi32, #tpu.memory_space<vmem>>, %arg7: memref<79x128xi32, #tpu.memory_space<vmem>>, %arg8: memref<128x128xbf16, #tpu.memory_space<vmem>>, %arg9: memref<128x128xbf16, #tpu.memory_space<vmem>>, %arg10: memref<128x128xbf16, #tpu.memory_space<vmem>>, %arg11: memref<128x128xbf16, #tpu.memory_space<vmem>>, %arg12: memref<10128x128xbf16, #tpu.memory_space<vmem_shared>>, %arg13: memref<!tpu.dma_semaphore, #tpu.memory_space<semaphore_mem>>, %arg14: memref<!tpu.dma_semaphore, #tpu.memory_space<semaphore_mem>>, %arg15: memref<!tpu.dma_semaphore, #tpu.memory_space<semaphore_mem>>, %arg16: memref<!tpu.dma_semaphore, #tpu.memory_space<semaphore_mem>>, %arg17: memref<!tpu.dma_semaphore, #tpu.memory_space<semaphore_mem>>, %arg18: memref<!tpu.dma_semaphore, #tpu.memory_space<semaphore_mem>>, %arg19: memref<!tpu.dma_semaphore, #tpu.memory_space<semaphore_mem>>, %arg20: memref<!tpu.dma_semaphore, #tpu.memory_space<semaphore_mem>>) attributes {dimension_semantics = [#tpu.dimension_semantics<core_parallel>, #tpu.dimension_semantics<subcore_parallel>], iteration_bounds = array<i64: 2, 16>, scalar_prefetch = 0 : i64, scratch_operands = 15 : i64, tpu.core_type = #tpu.core_type<sc_vector_subcore>, window_params = [{transform_indices = #map}, {transform_indices = #map}, {transform_indices = #map}, {transform_indices = #map1}]} {
    %mul3A = arith.constant 2 : i32
    %mul3A_0 = arith.muli %arg1, %mul3A : i32
    %add3A = arith.addi %mul3A_0, %arg0 : i32
    %mul3A_1 = arith.constant 79 : i32
    %mul3A_2 = arith.muli %add3A, %mul3A_1 : i32
    "tpu.region"() ({
      %run_scoped3A = tpu.sem_alloc : memref<!tpu.dma_semaphore, #tpu.memory_space<semaphore_mem>>
      %dma_start3A_228 = arith.constant 0 : i32
      %dma_start3A_229 = tpu.memref_slice %arg3[%mul3A_2, %dma_start3A_228] : memref<2528x128xi32, #tpu.memory_space<hbm>> -> memref<79x128xi32, #tpu.memory_space<hbm>>
      %dma_start3A_230 = arith.constant 0 : i32
      %dma_start3A_231 = tpu.memref_slice %arg3[%mul3A_2, %dma_start3A_230] : memref<2528x128xi32, #tpu.memory_space<hbm>> -> memref<79x128xi32, #tpu.memory_space<hbm>>
      tpu.enqueue_dma source(%dma_start3A_231 : memref<79x128xi32, #tpu.memory_space<hbm>>) target(%arg6 : memref<79x128xi32, #tpu.memory_space<vmem>>) target_semaphore(%run_scoped3A : memref<!tpu.dma_semaphore, #tpu.memory_space<semaphore_mem>>)
      %dma_wait3A_232 = arith.constant 0 : i32
      %dma_wait3A_233 = tpu.memref_slice %arg3[%mul3A_2, %dma_wait3A_232] : memref<2528x128xi32, #tpu.memory_space<hbm>> -> memref<79x128xi32, #tpu.memory_space<hbm>>
      %dma_wait3A_234 = arith.constant 0 : i32
      %dma_wait3A_235 = tpu.memref_slice %arg3[%mul3A_2, %dma_wait3A_234] : memref<2528x128xi32, #tpu.memory_space<hbm>> -> memref<79x128xi32, #tpu.memory_space<hbm>>
      tpu.wait_dma2 semaphore(%run_scoped3A : memref<!tpu.dma_semaphore, #tpu.memory_space<semaphore_mem>>) src(%dma_wait3A_235 : memref<79x128xi32, #tpu.memory_space<hbm>>) dst(%arg6 : memref<79x128xi32, #tpu.memory_space<vmem>>)
      tpu.yield
    }) : () -> ()
    %mul3A_3 = arith.constant 79 : i32
    %mul3A_4 = arith.muli %add3A, %mul3A_3 : i32
    "tpu.region"() ({
      %run_scoped3A = tpu.sem_alloc : memref<!tpu.dma_semaphore, #tpu.memory_space<semaphore_mem>>
      %dma_start3A_228 = arith.constant 0 : i32
      %dma_start3A_229 = tpu.memref_slice %arg4[%mul3A_4, %dma_start3A_228] : memref<2528x128xi32, #tpu.memory_space<hbm>> -> memref<79x128xi32, #tpu.memory_space<hbm>>
      %dma_start3A_230 = arith.constant 0 : i32
      %dma_start3A_231 = tpu.memref_slice %arg4[%mul3A_4, %dma_start3A_230] : memref<2528x128xi32, #tpu.memory_space<hbm>> -> memref<79x128xi32, #tpu.memory_space<hbm>>
      tpu.enqueue_dma source(%dma_start3A_231 : memref<79x128xi32, #tpu.memory_space<hbm>>) target(%arg7 : memref<79x128xi32, #tpu.memory_space<vmem>>) target_semaphore(%run_scoped3A : memref<!tpu.dma_semaphore, #tpu.memory_space<semaphore_mem>>)
      %dma_wait3A_232 = arith.constant 0 : i32
      %dma_wait3A_233 = tpu.memref_slice %arg4[%mul3A_4, %dma_wait3A_232] : memref<2528x128xi32, #tpu.memory_space<hbm>> -> memref<79x128xi32, #tpu.memory_space<hbm>>
      %dma_wait3A_234 = arith.constant 0 : i32
      %dma_wait3A_235 = tpu.memref_slice %arg4[%mul3A_4, %dma_wait3A_234] : memref<2528x128xi32, #tpu.memory_space<hbm>> -> memref<79x128xi32, #tpu.memory_space<hbm>>
      tpu.wait_dma2 semaphore(%run_scoped3A : memref<!tpu.dma_semaphore, #tpu.memory_space<semaphore_mem>>) src(%dma_wait3A_235 : memref<79x128xi32, #tpu.memory_space<hbm>>) dst(%arg7 : memref<79x128xi32, #tpu.memory_space<vmem>>)
      tpu.yield
    }) : () -> ()
    %scan3A = arith.constant 0 : i32
    %scan3A_5 = arith.constant 0 : i32
    %scan3A_6 = arith.constant 128 : i32
    %scan3A_7 = arith.addi %scan3A_5, %scan3A_6 : i32
    %scan3A_8 = arith.constant 1 : i32
    %scan3A_9 = scf.for %scan3A_228 = %scan3A_5 to %scan3A_7 step %scan3A_8 iter_args(%scan3A_229 = %scan3A) -> (i32)  : i32 {
      %broadcast_in_dim3A = arith.constant 0.000000e+00 : bf16
      %broadcast_in_dim3A_230 = vector.broadcast %broadcast_in_dim3A : bf16 to vector<32xbf16>
      %swap3A = arith.index_cast %scan3A_228 : i32 to index
      %swap3A_231 = arith.constant 0 : index
      %swap3A_232 = tpu.vector_load %arg8[%swap3A, %swap3A_231] {strides = array<i32>} : memref<128x128xbf16, #tpu.memory_space<vmem>>, vector<1x32xbf16>,
      %swap3A_233 = vector.shape_cast %swap3A_232 : vector<1x32xbf16> to vector<32xbf16>
      %swap3A_234 = vector.shape_cast %broadcast_in_dim3A_230 : vector<32xbf16> to vector<1x32xbf16>
      tpu.vector_store %arg8[%swap3A, %swap3A_231], %swap3A_234 {strides = array<i32>} : memref<128x128xbf16, #tpu.memory_space<vmem>>, vector<1x32xbf16>,
      %broadcast_in_dim3A_235 = arith.constant 0.000000e+00 : bf16
      %broadcast_in_dim3A_236 = vector.broadcast %broadcast_in_dim3A_235 : bf16 to vector<32xbf16>
      %swap3A_237 = arith.index_cast %scan3A_228 : i32 to index
      %swap3A_238 = arith.constant 32 : index
      %swap3A_239 = tpu.vector_load %arg8[%swap3A_237, %swap3A_238] {strides = array<i32>} : memref<128x128xbf16, #tpu.memory_space<vmem>>, vector<1x32xbf16>,
      %swap3A_240 = vector.shape_cast %swap3A_239 : vector<1x32xbf16> to vector<32xbf16>
      %swap3A_241 = vector.shape_cast %broadcast_in_dim3A_236 : vector<32xbf16> to vector<1x32xbf16>
      tpu.vector_store %arg8[%swap3A_237, %swap3A_238], %swap3A_241 {strides = array<i32>} : memref<128x128xbf16, #tpu.memory_space<vmem>>, vector<1x32xbf16>,
      %broadcast_in_dim3A_242 = arith.constant 0.000000e+00 : bf16
      %broadcast_in_dim3A_243 = vector.broadcast %broadcast_in_dim3A_242 : bf16 to vector<32xbf16>
      %swap3A_244 = arith.index_cast %scan3A_228 : i32 to index
      %swap3A_245 = arith.constant 64 : index
      %swap3A_246 = tpu.vector_load %arg8[%swap3A_244, %swap3A_245] {strides = array<i32>} : memref<128x128xbf16, #tpu.memory_space<vmem>>, vector<1x32xbf16>,
      %swap3A_247 = vector.shape_cast %swap3A_246 : vector<1x32xbf16> to vector<32xbf16>
      %swap3A_248 = vector.shape_cast %broadcast_in_dim3A_243 : vector<32xbf16> to vector<1x32xbf16>
      tpu.vector_store %arg8[%swap3A_244, %swap3A_245], %swap3A_248 {strides = array<i32>} : memref<128x128xbf16, #tpu.memory_space<vmem>>, vector<1x32xbf16>,
      %broadcast_in_dim3A_249 = arith.constant 0.000000e+00 : bf16
      %broadcast_in_dim3A_250 = vector.broadcast %broadcast_in_dim3A_249 : bf16 to vector<32xbf16>
      %swap3A_251 = arith.index_cast %scan3A_228 : i32 to index
      %swap3A_252 = arith.constant 96 : index
      %swap3A_253 = tpu.vector_load %arg8[%swap3A_251, %swap3A_252] {strides = array<i32>} : memref<128x128xbf16, #tpu.memory_space<vmem>>, vector<1x32xbf16>,
      %swap3A_254 = vector.shape_cast %swap3A_253 : vector<1x32xbf16> to vector<32xbf16>
      %swap3A_255 = vector.shape_cast %broadcast_in_dim3A_250 : vector<32xbf16> to vector<1x32xbf16>
      tpu.vector_store %arg8[%swap3A_251, %swap3A_252], %swap3A_255 {strides = array<i32>} : memref<128x128xbf16, #tpu.memory_space<vmem>>, vector<1x32xbf16>,
      %scan3A_256 = arith.constant 0 : i32
      scf.yield %scan3A_256 : i32
    }
    %scan3A_10 = arith.constant 128 : i32
    %scan3A_11 = arith.constant 0 : i32
    %scan3A_12 = arith.constant 0 : i32
    %scan3A_13 = arith.constant 4 : i32
    %scan3A_14 = arith.addi %scan3A_12, %scan3A_13 : i32
    %scan3A_15 = arith.constant 1 : i32
    %scan3A_16 = scf.for %scan3A_228 = %scan3A_12 to %scan3A_14 step %scan3A_15 iter_args(%scan3A_229 = %scan3A_11) -> (i32)  : i32 {
      %mul3A_230 = arith.constant 625 : i32
      %mul3A_231 = arith.muli %arg1, %mul3A_230 : i32
      %mul3A_232 = arith.constant 128 : i32
      %mul3A_233 = arith.muli %scan3A_228, %mul3A_232 : i32
      %add3A_234 = arith.addi %mul3A_231, %mul3A_233 : i32
      "tpu.region"() ({
        %run_scoped3A = tpu.sem_alloc : memref<!tpu.dma_semaphore, #tpu.memory_space<semaphore_mem>>
        %dma_start3A_236 = arith.constant 0 : i32
        %dma_start3A_237 = tpu.memref_slice %arg12[%add3A_234, %dma_start3A_236] : memref<10128x128xbf16, #tpu.memory_space<vmem_shared>> -> memref<128x128xbf16, #tpu.memory_space<vmem_shared>>
        %dma_start3A_238 = arith.constant 0 : i32
        %dma_start3A_239 = tpu.memref_slice %arg12[%add3A_234, %dma_start3A_238] : memref<10128x128xbf16, #tpu.memory_space<vmem_shared>> -> memref<128x128xbf16, #tpu.memory_space<vmem_shared>>
        tpu.enqueue_dma source(%arg8 : memref<128x128xbf16, #tpu.memory_space<vmem>>) target(%dma_start3A_239 : memref<128x128xbf16, #tpu.memory_space<vmem_shared>>) target_semaphore(%run_scoped3A : memref<!tpu.dma_semaphore, #tpu.memory_space<semaphore_mem>>)
        %dma_wait3A_240 = arith.constant 0 : i32
        %dma_wait3A_241 = tpu.memref_slice %arg12[%add3A_234, %dma_wait3A_240] : memref<10128x128xbf16, #tpu.memory_space<vmem_shared>> -> memref<128x128xbf16, #tpu.memory_space<vmem_shared>>
        %dma_wait3A_242 = arith.constant 0 : i32
        %dma_wait3A_243 = tpu.memref_slice %arg12[%add3A_234, %dma_wait3A_242] : memref<10128x128xbf16, #tpu.memory_space<vmem_shared>> -> memref<128x128xbf16, #tpu.memory_space<vmem_shared>>
        tpu.wait_dma2 semaphore(%run_scoped3A : memref<!tpu.dma_semaphore, #tpu.memory_space<semaphore_mem>>) src(%arg8 : memref<128x128xbf16, #tpu.memory_space<vmem>>) dst(%dma_wait3A_243 : memref<128x128xbf16, #tpu.memory_space<vmem_shared>>)
        tpu.yield
      }) : () -> ()
      %scan3A_235 = arith.constant 0 : i32
      scf.yield %scan3A_235 : i32
    }
    %scan3A_17 = arith.constant 4 : i32
    %mul3A_18 = arith.constant 625 : i32
    %mul3A_19 = arith.muli %arg1, %mul3A_18 : i32
    %add3A_20 = arith.constant 512 : i32
    %add3A_21 = arith.addi %mul3A_19, %add3A_20 : i32
    "tpu.region"() ({
      %run_scoped3A = tpu.sem_alloc : memref<!tpu.dma_semaphore, #tpu.memory_space<semaphore_mem>>
      %dma_start3A_228 = arith.constant 0 : i32
      %dma_start3A_229 = arith.constant 0 : i32
      %dma_start3A_230 = tpu.memref_slice %arg8[%dma_start3A_228, %dma_start3A_229] : memref<128x128xbf16, #tpu.memory_space<vmem>> -> memref<113x128xbf16, #tpu.memory_space<vmem>>
      %dma_start3A_231 = arith.constant 0 : i32
      %dma_start3A_232 = tpu.memref_slice %arg12[%add3A_21, %dma_start3A_231] : memref<10128x128xbf16, #tpu.memory_space<vmem_shared>> -> memref<113x128xbf16, #tpu.memory_space<vmem_shared>>
      %dma_start3A_233 = arith.constant 0 : i32
      %dma_start3A_234 = tpu.memref_slice %arg12[%add3A_21, %dma_start3A_233] : memref<10128x128xbf16, #tpu.memory_space<vmem_shared>> -> memref<113x128xbf16, #tpu.memory_space<vmem_shared>>
      %dma_start3A_235 = arith.constant 0 : i32
      %dma_start3A_236 = arith.constant 0 : i32
      %dma_start3A_237 = tpu.memref_slice %arg8[%dma_start3A_235, %dma_start3A_236] : memref<128x128xbf16, #tpu.memory_space<vmem>> -> memref<113x128xbf16, #tpu.memory_space<vmem>>
      tpu.enqueue_dma source(%dma_start3A_237 : memref<113x128xbf16, #tpu.memory_space<vmem>>) target(%dma_start3A_234 : memref<113x128xbf16, #tpu.memory_space<vmem_shared>>) target_semaphore(%run_scoped3A : memref<!tpu.dma_semaphore, #tpu.memory_space<semaphore_mem>>)
      %dma_wait3A_238 = arith.constant 0 : i32
      %dma_wait3A_239 = arith.constant 0 : i32
      %dma_wait3A_240 = tpu.memref_slice %arg8[%dma_wait3A_238, %dma_wait3A_239] : memref<128x128xbf16, #tpu.memory_space<vmem>> -> memref<113x128xbf16, #tpu.memory_space<vmem>>
      %dma_wait3A_241 = arith.constant 0 : i32
      %dma_wait3A_242 = tpu.memref_slice %arg12[%add3A_21, %dma_wait3A_241] : memref<10128x128xbf16, #tpu.memory_space<vmem_shared>> -> memref<113x128xbf16, #tpu.memory_space<vmem_shared>>
      %dma_wait3A_243 = arith.constant 0 : i32
      %dma_wait3A_244 = tpu.memref_slice %arg12[%add3A_21, %dma_wait3A_243] : memref<10128x128xbf16, #tpu.memory_space<vmem_shared>> -> memref<113x128xbf16, #tpu.memory_space<vmem_shared>>
      %dma_wait3A_245 = arith.constant 0 : i32
      %dma_wait3A_246 = arith.constant 0 : i32
      %dma_wait3A_247 = tpu.memref_slice %arg8[%dma_wait3A_245, %dma_wait3A_246] : memref<128x128xbf16, #tpu.memory_space<vmem>> -> memref<113x128xbf16, #tpu.memory_space<vmem>>
      tpu.wait_dma2 semaphore(%run_scoped3A : memref<!tpu.dma_semaphore, #tpu.memory_space<semaphore_mem>>) src(%dma_wait3A_247 : memref<113x128xbf16, #tpu.memory_space<vmem>>) dst(%dma_wait3A_244 : memref<113x128xbf16, #tpu.memory_space<vmem_shared>>)
      tpu.yield
    }) : () -> ()
    %barrier3A = arith.constant 0 : index
    tpu.barrier barrier_id(%barrier3A)
    %dma_start3A = arith.constant 0 : i32
    %dma_start3A_22 = arith.constant 0 : i32
    %dma_start3A_23 = tpu.memref_slice %arg6[%dma_start3A, %dma_start3A_22] : memref<79x128xi32, #tpu.memory_space<vmem>> -> memref<1x128xi32, #tpu.memory_space<vmem>>
    %dma_start3A_24 = tpu.memref_squeeze %dma_start3A_23 : memref<1x128xi32, #tpu.memory_space<vmem>> -> memref<128xi32, #tpu.memory_space<vmem>>
    %dma_start3A_25 = arith.constant 0 : i32
    %dma_start3A_26 = arith.constant 0 : i32
    %dma_start3A_27 = tpu.memref_slice %arg2[%dma_start3A_25, %dma_start3A_26] : memref<10000x128xbf16, #tpu.memory_space<hbm>> -> memref<10000x128xbf16, #tpu.memory_space<hbm>>
    tpu.enqueue_indirect_dma source(%dma_start3A_27 : memref<10000x128xbf16, #tpu.memory_space<hbm>>) target(%arg8 : memref<128x128xbf16, #tpu.memory_space<vmem>>) offsets(%dma_start3A_24 : memref<128xi32, #tpu.memory_space<vmem>>) semaphore(%arg13 : memref<!tpu.dma_semaphore, #tpu.memory_space<semaphore_mem>>)
    %dma_start3A_28 = arith.constant 1 : i32
    %dma_start3A_29 = arith.constant 0 : i32
    %dma_start3A_30 = tpu.memref_slice %arg6[%dma_start3A_28, %dma_start3A_29] : memref<79x128xi32, #tpu.memory_space<vmem>> -> memref<1x128xi32, #tpu.memory_space<vmem>>
    %dma_start3A_31 = tpu.memref_squeeze %dma_start3A_30 : memref<1x128xi32, #tpu.memory_space<vmem>> -> memref<128xi32, #tpu.memory_space<vmem>>
    %dma_start3A_32 = arith.constant 0 : i32
    %dma_start3A_33 = arith.constant 0 : i32
    %dma_start3A_34 = tpu.memref_slice %arg2[%dma_start3A_32, %dma_start3A_33] : memref<10000x128xbf16, #tpu.memory_space<hbm>> -> memref<10000x128xbf16, #tpu.memory_space<hbm>>
    tpu.enqueue_indirect_dma source(%dma_start3A_34 : memref<10000x128xbf16, #tpu.memory_space<hbm>>) target(%arg9 : memref<128x128xbf16, #tpu.memory_space<vmem>>) offsets(%dma_start3A_31 : memref<128xi32, #tpu.memory_space<vmem>>) semaphore(%arg14 : memref<!tpu.dma_semaphore, #tpu.memory_space<semaphore_mem>>)
    %dma_wait3A = arith.constant 0 : i32
    %dma_wait3A_35 = arith.constant 0 : i32
    %dma_wait3A_36 = tpu.memref_slice %arg6[%dma_wait3A, %dma_wait3A_35] : memref<79x128xi32, #tpu.memory_space<vmem>> -> memref<1x128xi32, #tpu.memory_space<vmem>>
    %dma_wait3A_37 = tpu.memref_squeeze %dma_wait3A_36 : memref<1x128xi32, #tpu.memory_space<vmem>> -> memref<128xi32, #tpu.memory_space<vmem>>
    %dma_wait3A_38 = arith.constant 0 : i32
    %dma_wait3A_39 = arith.constant 0 : i32
    %dma_wait3A_40 = tpu.memref_slice %arg2[%dma_wait3A_38, %dma_wait3A_39] : memref<10000x128xbf16, #tpu.memory_space<hbm>> -> memref<10000x128xbf16, #tpu.memory_space<hbm>>
    tpu.wait_indirect_dma semaphore(%arg13 : memref<!tpu.dma_semaphore, #tpu.memory_space<semaphore_mem>>) src(%dma_wait3A_40 : memref<10000x128xbf16, #tpu.memory_space<hbm>>) dst(%arg8 : memref<128x128xbf16, #tpu.memory_space<vmem>>)
    %dma_start3A_41 = arith.constant 0 : i32
    %dma_start3A_42 = arith.constant 0 : i32
    %dma_start3A_43 = tpu.memref_slice %arg7[%dma_start3A_41, %dma_start3A_42] : memref<79x128xi32, #tpu.memory_space<vmem>> -> memref<1x128xi32, #tpu.memory_space<vmem>>
    %dma_start3A_44 = tpu.memref_squeeze %dma_start3A_43 : memref<1x128xi32, #tpu.memory_space<vmem>> -> memref<128xi32, #tpu.memory_space<vmem>>
    %dma_start3A_45 = arith.constant 0 : i32
    %dma_start3A_46 = arith.constant 0 : i32
    %dma_start3A_47 = tpu.memref_slice %arg12[%dma_start3A_45, %dma_start3A_46] : memref<10128x128xbf16, #tpu.memory_space<vmem_shared>> -> memref<10128x128xbf16, #tpu.memory_space<vmem_shared>>
    tpu.enqueue_indirect_dma source(%arg8 : memref<128x128xbf16, #tpu.memory_space<vmem>>) target(%dma_start3A_47 : memref<10128x128xbf16, #tpu.memory_space<vmem_shared>>) offsets(%dma_start3A_44 : memref<128xi32, #tpu.memory_space<vmem>>) semaphore(%arg17 : memref<!tpu.dma_semaphore, #tpu.memory_space<semaphore_mem>>) {add = true}
    %dma_start3A_48 = arith.constant 2 : i32
    %dma_start3A_49 = arith.constant 0 : i32
    %dma_start3A_50 = tpu.memref_slice %arg6[%dma_start3A_48, %dma_start3A_49] : memref<79x128xi32, #tpu.memory_space<vmem>> -> memref<1x128xi32, #tpu.memory_space<vmem>>
    %dma_start3A_51 = tpu.memref_squeeze %dma_start3A_50 : memref<1x128xi32, #tpu.memory_space<vmem>> -> memref<128xi32, #tpu.memory_space<vmem>>
    %dma_start3A_52 = arith.constant 0 : i32
    %dma_start3A_53 = arith.constant 0 : i32
    %dma_start3A_54 = tpu.memref_slice %arg2[%dma_start3A_52, %dma_start3A_53] : memref<10000x128xbf16, #tpu.memory_space<hbm>> -> memref<10000x128xbf16, #tpu.memory_space<hbm>>
    tpu.enqueue_indirect_dma source(%dma_start3A_54 : memref<10000x128xbf16, #tpu.memory_space<hbm>>) target(%arg10 : memref<128x128xbf16, #tpu.memory_space<vmem>>) offsets(%dma_start3A_51 : memref<128xi32, #tpu.memory_space<vmem>>) semaphore(%arg15 : memref<!tpu.dma_semaphore, #tpu.memory_space<semaphore_mem>>)
    %dma_wait3A_55 = arith.constant 1 : i32
    %dma_wait3A_56 = arith.constant 0 : i32
    %dma_wait3A_57 = tpu.memref_slice %arg6[%dma_wait3A_55, %dma_wait3A_56] : memref<79x128xi32, #tpu.memory_space<vmem>> -> memref<1x128xi32, #tpu.memory_space<vmem>>
    %dma_wait3A_58 = tpu.memref_squeeze %dma_wait3A_57 : memref<1x128xi32, #tpu.memory_space<vmem>> -> memref<128xi32, #tpu.memory_space<vmem>>
    %dma_wait3A_59 = arith.constant 0 : i32
    %dma_wait3A_60 = arith.constant 0 : i32
    %dma_wait3A_61 = tpu.memref_slice %arg2[%dma_wait3A_59, %dma_wait3A_60] : memref<10000x128xbf16, #tpu.memory_space<hbm>> -> memref<10000x128xbf16, #tpu.memory_space<hbm>>
    tpu.wait_indirect_dma semaphore(%arg14 : memref<!tpu.dma_semaphore, #tpu.memory_space<semaphore_mem>>) src(%dma_wait3A_61 : memref<10000x128xbf16, #tpu.memory_space<hbm>>) dst(%arg9 : memref<128x128xbf16, #tpu.memory_space<vmem>>)
    %dma_start3A_62 = arith.constant 1 : i32
    %dma_start3A_63 = arith.constant 0 : i32
    %dma_start3A_64 = tpu.memref_slice %arg7[%dma_start3A_62, %dma_start3A_63] : memref<79x128xi32, #tpu.memory_space<vmem>> -> memref<1x128xi32, #tpu.memory_space<vmem>>
    %dma_start3A_65 = tpu.memref_squeeze %dma_start3A_64 : memref<1x128xi32, #tpu.memory_space<vmem>> -> memref<128xi32, #tpu.memory_space<vmem>>
    %dma_start3A_66 = arith.constant 0 : i32
    %dma_start3A_67 = arith.constant 0 : i32
    %dma_start3A_68 = tpu.memref_slice %arg12[%dma_start3A_66, %dma_start3A_67] : memref<10128x128xbf16, #tpu.memory_space<vmem_shared>> -> memref<10128x128xbf16, #tpu.memory_space<vmem_shared>>
    tpu.enqueue_indirect_dma source(%arg9 : memref<128x128xbf16, #tpu.memory_space<vmem>>) target(%dma_start3A_68 : memref<10128x128xbf16, #tpu.memory_space<vmem_shared>>) offsets(%dma_start3A_65 : memref<128xi32, #tpu.memory_space<vmem>>) semaphore(%arg18 : memref<!tpu.dma_semaphore, #tpu.memory_space<semaphore_mem>>) {add = true}
    %dma_start3A_69 = arith.constant 3 : i32
    %dma_start3A_70 = arith.constant 0 : i32
    %dma_start3A_71 = tpu.memref_slice %arg6[%dma_start3A_69, %dma_start3A_70] : memref<79x128xi32, #tpu.memory_space<vmem>> -> memref<1x128xi32, #tpu.memory_space<vmem>>
    %dma_start3A_72 = tpu.memref_squeeze %dma_start3A_71 : memref<1x128xi32, #tpu.memory_space<vmem>> -> memref<128xi32, #tpu.memory_space<vmem>>
    %dma_start3A_73 = arith.constant 0 : i32
    %dma_start3A_74 = arith.constant 0 : i32
    %dma_start3A_75 = tpu.memref_slice %arg2[%dma_start3A_73, %dma_start3A_74] : memref<10000x128xbf16, #tpu.memory_space<hbm>> -> memref<10000x128xbf16, #tpu.memory_space<hbm>>
    tpu.enqueue_indirect_dma source(%dma_start3A_75 : memref<10000x128xbf16, #tpu.memory_space<hbm>>) target(%arg11 : memref<128x128xbf16, #tpu.memory_space<vmem>>) offsets(%dma_start3A_72 : memref<128xi32, #tpu.memory_space<vmem>>) semaphore(%arg16 : memref<!tpu.dma_semaphore, #tpu.memory_space<semaphore_mem>>)
    %scan3A_76 = arith.constant 0 : i32
    %scan3A_77 = arith.constant 0 : i32
    %scan3A_78 = arith.constant 18 : i32
    %scan3A_79 = arith.addi %scan3A_77, %scan3A_78 : i32
    %scan3A_80 = arith.constant 1 : i32
    %scan3A_81 = scf.for %scan3A_228 = %scan3A_77 to %scan3A_79 step %scan3A_80 iter_args(%scan3A_229 = %scan3A_76) -> (i32)  : i32 {
      %mul3A_230 = arith.constant 4 : i32
      %mul3A_231 = arith.muli %mul3A_230, %scan3A_228 : i32
      %add3A_232 = arith.constant 2 : i32
      %add3A_233 = arith.addi %add3A_232, %mul3A_231 : i32
      %add3A_234 = arith.constant 0 : i32
      %add3A_235 = arith.addi %add3A_233, %add3A_234 : i32
      %dma_wait3A_236 = arith.constant 0 : i32
      %dma_wait3A_237 = tpu.memref_slice %arg6[%add3A_235, %dma_wait3A_236] : memref<79x128xi32, #tpu.memory_space<vmem>> -> memref<1x128xi32, #tpu.memory_space<vmem>>
      %dma_wait3A_238 = tpu.memref_squeeze %dma_wait3A_237 : memref<1x128xi32, #tpu.memory_space<vmem>> -> memref<128xi32, #tpu.memory_space<vmem>>
      %dma_wait3A_239 = arith.constant 0 : i32
      %dma_wait3A_240 = arith.constant 0 : i32
      %dma_wait3A_241 = tpu.memref_slice %arg2[%dma_wait3A_239, %dma_wait3A_240] : memref<10000x128xbf16, #tpu.memory_space<hbm>> -> memref<10000x128xbf16, #tpu.memory_space<hbm>>
      tpu.wait_indirect_dma semaphore(%arg15 : memref<!tpu.dma_semaphore, #tpu.memory_space<semaphore_mem>>) src(%dma_wait3A_241 : memref<10000x128xbf16, #tpu.memory_space<hbm>>) dst(%arg10 : memref<128x128xbf16, #tpu.memory_space<vmem>>)
      %dma_start3A_242 = arith.constant 0 : i32
      %dma_start3A_243 = tpu.memref_slice %arg7[%add3A_235, %dma_start3A_242] : memref<79x128xi32, #tpu.memory_space<vmem>> -> memref<1x128xi32, #tpu.memory_space<vmem>>
      %dma_start3A_244 = tpu.memref_squeeze %dma_start3A_243 : memref<1x128xi32, #tpu.memory_space<vmem>> -> memref<128xi32, #tpu.memory_space<vmem>>
      %dma_start3A_245 = arith.constant 0 : i32
      %dma_start3A_246 = arith.constant 0 : i32
      %dma_start3A_247 = tpu.memref_slice %arg12[%dma_start3A_245, %dma_start3A_246] : memref<10128x128xbf16, #tpu.memory_space<vmem_shared>> -> memref<10128x128xbf16, #tpu.memory_space<vmem_shared>>
      tpu.enqueue_indirect_dma source(%arg10 : memref<128x128xbf16, #tpu.memory_space<vmem>>) target(%dma_start3A_247 : memref<10128x128xbf16, #tpu.memory_space<vmem_shared>>) offsets(%dma_start3A_244 : memref<128xi32, #tpu.memory_space<vmem>>) semaphore(%arg19 : memref<!tpu.dma_semaphore, #tpu.memory_space<semaphore_mem>>) {add = true}
      %sub3A = arith.constant 2 : i32
      %sub3A_248 = arith.subi %add3A_235, %sub3A : i32
      %dma_wait3A_249 = arith.constant 0 : i32
      %dma_wait3A_250 = tpu.memref_slice %arg7[%sub3A_248, %dma_wait3A_249] : memref<79x128xi32, #tpu.memory_space<vmem>> -> memref<1x128xi32, #tpu.memory_space<vmem>>
      %dma_wait3A_251 = tpu.memref_squeeze %dma_wait3A_250 : memref<1x128xi32, #tpu.memory_space<vmem>> -> memref<128xi32, #tpu.memory_space<vmem>>
      %dma_wait3A_252 = arith.constant 0 : i32
      %dma_wait3A_253 = arith.constant 0 : i32
      %dma_wait3A_254 = tpu.memref_slice %arg12[%dma_wait3A_252, %dma_wait3A_253] : memref<10128x128xbf16, #tpu.memory_space<vmem_shared>> -> memref<10128x128xbf16, #tpu.memory_space<vmem_shared>>
      tpu.wait_indirect_dma semaphore(%arg17 : memref<!tpu.dma_semaphore, #tpu.memory_space<semaphore_mem>>) src(%arg8 : memref<128x128xbf16, #tpu.memory_space<vmem>>) dst(%dma_wait3A_254 : memref<10128x128xbf16, #tpu.memory_space<vmem_shared>>)
      %add3A_255 = arith.constant 2 : i32
      %add3A_256 = arith.addi %add3A_235, %add3A_255 : i32
      %dma_start3A_257 = arith.constant 0 : i32
      %dma_start3A_258 = tpu.memref_slice %arg6[%add3A_256, %dma_start3A_257] : memref<79x128xi32, #tpu.memory_space<vmem>> -> memref<1x128xi32, #tpu.memory_space<vmem>>
      %dma_start3A_259 = tpu.memref_squeeze %dma_start3A_258 : memref<1x128xi32, #tpu.memory_space<vmem>> -> memref<128xi32, #tpu.memory_space<vmem>>
      %dma_start3A_260 = arith.constant 0 : i32
      %dma_start3A_261 = arith.constant 0 : i32
      %dma_start3A_262 = tpu.memref_slice %arg2[%dma_start3A_260, %dma_start3A_261] : memref<10000x128xbf16, #tpu.memory_space<hbm>> -> memref<10000x128xbf16, #tpu.memory_space<hbm>>
      tpu.enqueue_indirect_dma source(%dma_start3A_262 : memref<10000x128xbf16, #tpu.memory_space<hbm>>) target(%arg8 : memref<128x128xbf16, #tpu.memory_space<vmem>>) offsets(%dma_start3A_259 : memref<128xi32, #tpu.memory_space<vmem>>) semaphore(%arg13 : memref<!tpu.dma_semaphore, #tpu.memory_space<semaphore_mem>>)
      %mul3A_263 = arith.constant 4 : i32
      %mul3A_264 = arith.muli %mul3A_263, %scan3A_228 : i32
      %add3A_265 = arith.constant 2 : i32
      %add3A_266 = arith.addi %add3A_265, %mul3A_264 : i32
      %add3A_267 = arith.constant 1 : i32
      %add3A_268 = arith.addi %add3A_266, %add3A_267 : i32
      %dma_wait3A_269 = arith.constant 0 : i32
      %dma_wait3A_270 = tpu.memref_slice %arg6[%add3A_268, %dma_wait3A_269] : memref<79x128xi32, #tpu.memory_space<vmem>> -> memref<1x128xi32, #tpu.memory_space<vmem>>
      %dma_wait3A_271 = tpu.memref_squeeze %dma_wait3A_270 : memref<1x128xi32, #tpu.memory_space<vmem>> -> memref<128xi32, #tpu.memory_space<vmem>>
      %dma_wait3A_272 = arith.constant 0 : i32
      %dma_wait3A_273 = arith.constant 0 : i32
      %dma_wait3A_274 = tpu.memref_slice %arg2[%dma_wait3A_272, %dma_wait3A_273] : memref<10000x128xbf16, #tpu.memory_space<hbm>> -> memref<10000x128xbf16, #tpu.memory_space<hbm>>
      tpu.wait_indirect_dma semaphore(%arg16 : memref<!tpu.dma_semaphore, #tpu.memory_space<semaphore_mem>>) src(%dma_wait3A_274 : memref<10000x128xbf16, #tpu.memory_space<hbm>>) dst(%arg11 : memref<128x128xbf16, #tpu.memory_space<vmem>>)
      %dma_start3A_275 = arith.constant 0 : i32
      %dma_start3A_276 = tpu.memref_slice %arg7[%add3A_268, %dma_start3A_275] : memref<79x128xi32, #tpu.memory_space<vmem>> -> memref<1x128xi32, #tpu.memory_space<vmem>>
      %dma_start3A_277 = tpu.memref_squeeze %dma_start3A_276 : memref<1x128xi32, #tpu.memory_space<vmem>> -> memref<128xi32, #tpu.memory_space<vmem>>
      %dma_start3A_278 = arith.constant 0 : i32
      %dma_start3A_279 = arith.constant 0 : i32
      %dma_start3A_280 = tpu.memref_slice %arg12[%dma_start3A_278, %dma_start3A_279] : memref<10128x128xbf16, #tpu.memory_space<vmem_shared>> -> memref<10128x128xbf16, #tpu.memory_space<vmem_shared>>
      tpu.enqueue_indirect_dma source(%arg11 : memref<128x128xbf16, #tpu.memory_space<vmem>>) target(%dma_start3A_280 : memref<10128x128xbf16, #tpu.memory_space<vmem_shared>>) offsets(%dma_start3A_277 : memref<128xi32, #tpu.memory_space<vmem>>) semaphore(%arg20 : memref<!tpu.dma_semaphore, #tpu.memory_space<semaphore_mem>>) {add = true}
      %sub3A_281 = arith.constant 2 : i32
      %sub3A_282 = arith.subi %add3A_268, %sub3A_281 : i32
      %dma_wait3A_283 = arith.constant 0 : i32
      %dma_wait3A_284 = tpu.memref_slice %arg7[%sub3A_282, %dma_wait3A_283] : memref<79x128xi32, #tpu.memory_space<vmem>> -> memref<1x128xi32, #tpu.memory_space<vmem>>
      %dma_wait3A_285 = tpu.memref_squeeze %dma_wait3A_284 : memref<1x128xi32, #tpu.memory_space<vmem>> -> memref<128xi32, #tpu.memory_space<vmem>>
      %dma_wait3A_286 = arith.constant 0 : i32
      %dma_wait3A_287 = arith.constant 0 : i32
      %dma_wait3A_288 = tpu.memref_slice %arg12[%dma_wait3A_286, %dma_wait3A_287] : memref<10128x128xbf16, #tpu.memory_space<vmem_shared>> -> memref<10128x128xbf16, #tpu.memory_space<vmem_shared>>
      tpu.wait_indirect_dma semaphore(%arg18 : memref<!tpu.dma_semaphore, #tpu.memory_space<semaphore_mem>>) src(%arg9 : memref<128x128xbf16, #tpu.memory_space<vmem>>) dst(%dma_wait3A_288 : memref<10128x128xbf16, #tpu.memory_space<vmem_shared>>)
      %add3A_289 = arith.constant 2 : i32
      %add3A_290 = arith.addi %add3A_268, %add3A_289 : i32
      %dma_start3A_291 = arith.constant 0 : i32
      %dma_start3A_292 = tpu.memref_slice %arg6[%add3A_290, %dma_start3A_291] : memref<79x128xi32, #tpu.memory_space<vmem>> -> memref<1x128xi32, #tpu.memory_space<vmem>>
      %dma_start3A_293 = tpu.memref_squeeze %dma_start3A_292 : memref<1x128xi32, #tpu.memory_space<vmem>> -> memref<128xi32, #tpu.memory_space<vmem>>
      %dma_start3A_294 = arith.constant 0 : i32
      %dma_start3A_295 = arith.constant 0 : i32
      %dma_start3A_296 = tpu.memref_slice %arg2[%dma_start3A_294, %dma_start3A_295] : memref<10000x128xbf16, #tpu.memory_space<hbm>> -> memref<10000x128xbf16, #tpu.memory_space<hbm>>
      tpu.enqueue_indirect_dma source(%dma_start3A_296 : memref<10000x128xbf16, #tpu.memory_space<hbm>>) target(%arg9 : memref<128x128xbf16, #tpu.memory_space<vmem>>) offsets(%dma_start3A_293 : memref<128xi32, #tpu.memory_space<vmem>>) semaphore(%arg14 : memref<!tpu.dma_semaphore, #tpu.memory_space<semaphore_mem>>)
      %mul3A_297 = arith.constant 4 : i32
      %mul3A_298 = arith.muli %mul3A_297, %scan3A_228 : i32
      %add3A_299 = arith.constant 2 : i32
      %add3A_300 = arith.addi %add3A_299, %mul3A_298 : i32
      %add3A_301 = arith.constant 2 : i32
      %add3A_302 = arith.addi %add3A_300, %add3A_301 : i32
      %dma_wait3A_303 = arith.constant 0 : i32
      %dma_wait3A_304 = tpu.memref_slice %arg6[%add3A_302, %dma_wait3A_303] : memref<79x128xi32, #tpu.memory_space<vmem>> -> memref<1x128xi32, #tpu.memory_space<vmem>>
      %dma_wait3A_305 = tpu.memref_squeeze %dma_wait3A_304 : memref<1x128xi32, #tpu.memory_space<vmem>> -> memref<128xi32, #tpu.memory_space<vmem>>
      %dma_wait3A_306 = arith.constant 0 : i32
      %dma_wait3A_307 = arith.constant 0 : i32
      %dma_wait3A_308 = tpu.memref_slice %arg2[%dma_wait3A_306, %dma_wait3A_307] : memref<10000x128xbf16, #tpu.memory_space<hbm>> -> memref<10000x128xbf16, #tpu.memory_space<hbm>>
      tpu.wait_indirect_dma semaphore(%arg13 : memref<!tpu.dma_semaphore, #tpu.memory_space<semaphore_mem>>) src(%dma_wait3A_308 : memref<10000x128xbf16, #tpu.memory_space<hbm>>) dst(%arg8 : memref<128x128xbf16, #tpu.memory_space<vmem>>)
      %dma_start3A_309 = arith.constant 0 : i32
      %dma_start3A_310 = tpu.memref_slice %arg7[%add3A_302, %dma_start3A_309] : memref<79x128xi32, #tpu.memory_space<vmem>> -> memref<1x128xi32, #tpu.memory_space<vmem>>
      %dma_start3A_311 = tpu.memref_squeeze %dma_start3A_310 : memref<1x128xi32, #tpu.memory_space<vmem>> -> memref<128xi32, #tpu.memory_space<vmem>>
      %dma_start3A_312 = arith.constant 0 : i32
      %dma_start3A_313 = arith.constant 0 : i32
      %dma_start3A_314 = tpu.memref_slice %arg12[%dma_start3A_312, %dma_start3A_313] : memref<10128x128xbf16, #tpu.memory_space<vmem_shared>> -> memref<10128x128xbf16, #tpu.memory_space<vmem_shared>>
      tpu.enqueue_indirect_dma source(%arg8 : memref<128x128xbf16, #tpu.memory_space<vmem>>) target(%dma_start3A_314 : memref<10128x128xbf16, #tpu.memory_space<vmem_shared>>) offsets(%dma_start3A_311 : memref<128xi32, #tpu.memory_space<vmem>>) semaphore(%arg17 : memref<!tpu.dma_semaphore, #tpu.memory_space<semaphore_mem>>) {add = true}
      %sub3A_315 = arith.constant 2 : i32
      %sub3A_316 = arith.subi %add3A_302, %sub3A_315 : i32
      %dma_wait3A_317 = arith.constant 0 : i32
      %dma_wait3A_318 = tpu.memref_slice %arg7[%sub3A_316, %dma_wait3A_317] : memref<79x128xi32, #tpu.memory_space<vmem>> -> memref<1x128xi32, #tpu.memory_space<vmem>>
      %dma_wait3A_319 = tpu.memref_squeeze %dma_wait3A_318 : memref<1x128xi32, #tpu.memory_space<vmem>> -> memref<128xi32, #tpu.memory_space<vmem>>
      %dma_wait3A_320 = arith.constant 0 : i32
      %dma_wait3A_321 = arith.constant 0 : i32
      %dma_wait3A_322 = tpu.memref_slice %arg12[%dma_wait3A_320, %dma_wait3A_321] : memref<10128x128xbf16, #tpu.memory_space<vmem_shared>> -> memref<10128x128xbf16, #tpu.memory_space<vmem_shared>>
      tpu.wait_indirect_dma semaphore(%arg19 : memref<!tpu.dma_semaphore, #tpu.memory_space<semaphore_mem>>) src(%arg10 : memref<128x128xbf16, #tpu.memory_space<vmem>>) dst(%dma_wait3A_322 : memref<10128x128xbf16, #tpu.memory_space<vmem_shared>>)
      %add3A_323 = arith.constant 2 : i32
      %add3A_324 = arith.addi %add3A_302, %add3A_323 : i32
      %dma_start3A_325 = arith.constant 0 : i32
      %dma_start3A_326 = tpu.memref_slice %arg6[%add3A_324, %dma_start3A_325] : memref<79x128xi32, #tpu.memory_space<vmem>> -> memref<1x128xi32, #tpu.memory_space<vmem>>
      %dma_start3A_327 = tpu.memref_squeeze %dma_start3A_326 : memref<1x128xi32, #tpu.memory_space<vmem>> -> memref<128xi32, #tpu.memory_space<vmem>>
      %dma_start3A_328 = arith.constant 0 : i32
      %dma_start3A_329 = arith.constant 0 : i32
      %dma_start3A_330 = tpu.memref_slice %arg2[%dma_start3A_328, %dma_start3A_329] : memref<10000x128xbf16, #tpu.memory_space<hbm>> -> memref<10000x128xbf16, #tpu.memory_space<hbm>>
      tpu.enqueue_indirect_dma source(%dma_start3A_330 : memref<10000x128xbf16, #tpu.memory_space<hbm>>) target(%arg10 : memref<128x128xbf16, #tpu.memory_space<vmem>>) offsets(%dma_start3A_327 : memref<128xi32, #tpu.memory_space<vmem>>) semaphore(%arg15 : memref<!tpu.dma_semaphore, #tpu.memory_space<semaphore_mem>>)
      %mul3A_331 = arith.constant 4 : i32
      %mul3A_332 = arith.muli %mul3A_331, %scan3A_228 : i32
      %add3A_333 = arith.constant 2 : i32
      %add3A_334 = arith.addi %add3A_333, %mul3A_332 : i32
      %add3A_335 = arith.constant 3 : i32
      %add3A_336 = arith.addi %add3A_334, %add3A_335 : i32
      %dma_wait3A_337 = arith.constant 0 : i32
      %dma_wait3A_338 = tpu.memref_slice %arg6[%add3A_336, %dma_wait3A_337] : memref<79x128xi32, #tpu.memory_space<vmem>> -> memref<1x128xi32, #tpu.memory_space<vmem>>
      %dma_wait3A_339 = tpu.memref_squeeze %dma_wait3A_338 : memref<1x128xi32, #tpu.memory_space<vmem>> -> memref<128xi32, #tpu.memory_space<vmem>>
      %dma_wait3A_340 = arith.constant 0 : i32
      %dma_wait3A_341 = arith.constant 0 : i32
      %dma_wait3A_342 = tpu.memref_slice %arg2[%dma_wait3A_340, %dma_wait3A_341] : memref<10000x128xbf16, #tpu.memory_space<hbm>> -> memref<10000x128xbf16, #tpu.memory_space<hbm>>
      tpu.wait_indirect_dma semaphore(%arg14 : memref<!tpu.dma_semaphore, #tpu.memory_space<semaphore_mem>>) src(%dma_wait3A_342 : memref<10000x128xbf16, #tpu.memory_space<hbm>>) dst(%arg9 : memref<128x128xbf16, #tpu.memory_space<vmem>>)
      %dma_start3A_343 = arith.constant 0 : i32
      %dma_start3A_344 = tpu.memref_slice %arg7[%add3A_336, %dma_start3A_343] : memref<79x128xi32, #tpu.memory_space<vmem>> -> memref<1x128xi32, #tpu.memory_space<vmem>>
      %dma_start3A_345 = tpu.memref_squeeze %dma_start3A_344 : memref<1x128xi32, #tpu.memory_space<vmem>> -> memref<128xi32, #tpu.memory_space<vmem>>
      %dma_start3A_346 = arith.constant 0 : i32
      %dma_start3A_347 = arith.constant 0 : i32
      %dma_start3A_348 = tpu.memref_slice %arg12[%dma_start3A_346, %dma_start3A_347] : memref<10128x128xbf16, #tpu.memory_space<vmem_shared>> -> memref<10128x128xbf16, #tpu.memory_space<vmem_shared>>
      tpu.enqueue_indirect_dma source(%arg9 : memref<128x128xbf16, #tpu.memory_space<vmem>>) target(%dma_start3A_348 : memref<10128x128xbf16, #tpu.memory_space<vmem_shared>>) offsets(%dma_start3A_345 : memref<128xi32, #tpu.memory_space<vmem>>) semaphore(%arg18 : memref<!tpu.dma_semaphore, #tpu.memory_space<semaphore_mem>>) {add = true}
      %sub3A_349 = arith.constant 2 : i32
      %sub3A_350 = arith.subi %add3A_336, %sub3A_349 : i32
      %dma_wait3A_351 = arith.constant 0 : i32
      %dma_wait3A_352 = tpu.memref_slice %arg7[%sub3A_350, %dma_wait3A_351] : memref<79x128xi32, #tpu.memory_space<vmem>> -> memref<1x128xi32, #tpu.memory_space<vmem>>
      %dma_wait3A_353 = tpu.memref_squeeze %dma_wait3A_352 : memref<1x128xi32, #tpu.memory_space<vmem>> -> memref<128xi32, #tpu.memory_space<vmem>>
      %dma_wait3A_354 = arith.constant 0 : i32
      %dma_wait3A_355 = arith.constant 0 : i32
      %dma_wait3A_356 = tpu.memref_slice %arg12[%dma_wait3A_354, %dma_wait3A_355] : memref<10128x128xbf16, #tpu.memory_space<vmem_shared>> -> memref<10128x128xbf16, #tpu.memory_space<vmem_shared>>
      tpu.wait_indirect_dma semaphore(%arg20 : memref<!tpu.dma_semaphore, #tpu.memory_space<semaphore_mem>>) src(%arg11 : memref<128x128xbf16, #tpu.memory_space<vmem>>) dst(%dma_wait3A_356 : memref<10128x128xbf16, #tpu.memory_space<vmem_shared>>)
      %add3A_357 = arith.constant 2 : i32
      %add3A_358 = arith.addi %add3A_336, %add3A_357 : i32
      %dma_start3A_359 = arith.constant 0 : i32
      %dma_start3A_360 = tpu.memref_slice %arg6[%add3A_358, %dma_start3A_359] : memref<79x128xi32, #tpu.memory_space<vmem>> -> memref<1x128xi32, #tpu.memory_space<vmem>>
      %dma_start3A_361 = tpu.memref_squeeze %dma_start3A_360 : memref<1x128xi32, #tpu.memory_space<vmem>> -> memref<128xi32, #tpu.memory_space<vmem>>
      %dma_start3A_362 = arith.constant 0 : i32
      %dma_start3A_363 = arith.constant 0 : i32
      %dma_start3A_364 = tpu.memref_slice %arg2[%dma_start3A_362, %dma_start3A_363] : memref<10000x128xbf16, #tpu.memory_space<hbm>> -> memref<10000x128xbf16, #tpu.memory_space<hbm>>
      tpu.enqueue_indirect_dma source(%dma_start3A_364 : memref<10000x128xbf16, #tpu.memory_space<hbm>>) target(%arg11 : memref<128x128xbf16, #tpu.memory_space<vmem>>) offsets(%dma_start3A_361 : memref<128xi32, #tpu.memory_space<vmem>>) semaphore(%arg16 : memref<!tpu.dma_semaphore, #tpu.memory_space<semaphore_mem>>)
      %scan3A_365 = arith.constant 0 : i32
      scf.yield %scan3A_365 : i32
    }
    %scan3A_82 = arith.constant 18 : i32
    %dma_wait3A_83 = arith.constant 74 : i32
    %dma_wait3A_84 = arith.constant 0 : i32
    %dma_wait3A_85 = tpu.memref_slice %arg6[%dma_wait3A_83, %dma_wait3A_84] : memref<79x128xi32, #tpu.memory_space<vmem>> -> memref<1x128xi32, #tpu.memory_space<vmem>>
    %dma_wait3A_86 = tpu.memref_squeeze %dma_wait3A_85 : memref<1x128xi32, #tpu.memory_space<vmem>> -> memref<128xi32, #tpu.memory_space<vmem>>
    %dma_wait3A_87 = arith.constant 0 : i32
    %dma_wait3A_88 = arith.constant 0 : i32
    %dma_wait3A_89 = tpu.memref_slice %arg2[%dma_wait3A_87, %dma_wait3A_88] : memref<10000x128xbf16, #tpu.memory_space<hbm>> -> memref<10000x128xbf16, #tpu.memory_space<hbm>>
    tpu.wait_indirect_dma semaphore(%arg15 : memref<!tpu.dma_semaphore, #tpu.memory_space<semaphore_mem>>) src(%dma_wait3A_89 : memref<10000x128xbf16, #tpu.memory_space<hbm>>) dst(%arg10 : memref<128x128xbf16, #tpu.memory_space<vmem>>)
    %dma_start3A_90 = arith.constant 74 : i32
    %dma_start3A_91 = arith.constant 0 : i32
    %dma_start3A_92 = tpu.memref_slice %arg7[%dma_start3A_90, %dma_start3A_91] : memref<79x128xi32, #tpu.memory_space<vmem>> -> memref<1x128xi32, #tpu.memory_space<vmem>>
    %dma_start3A_93 = tpu.memref_squeeze %dma_start3A_92 : memref<1x128xi32, #tpu.memory_space<vmem>> -> memref<128xi32, #tpu.memory_space<vmem>>
    %dma_start3A_94 = arith.constant 0 : i32
    %dma_start3A_95 = arith.constant 0 : i32
    %dma_start3A_96 = tpu.memref_slice %arg12[%dma_start3A_94, %dma_start3A_95] : memref<10128x128xbf16, #tpu.memory_space<vmem_shared>> -> memref<10128x128xbf16, #tpu.memory_space<vmem_shared>>
    tpu.enqueue_indirect_dma source(%arg10 : memref<128x128xbf16, #tpu.memory_space<vmem>>) target(%dma_start3A_96 : memref<10128x128xbf16, #tpu.memory_space<vmem_shared>>) offsets(%dma_start3A_93 : memref<128xi32, #tpu.memory_space<vmem>>) semaphore(%arg19 : memref<!tpu.dma_semaphore, #tpu.memory_space<semaphore_mem>>) {add = true}
    %dma_wait3A_97 = arith.constant 72 : i32
    %dma_wait3A_98 = arith.constant 0 : i32
    %dma_wait3A_99 = tpu.memref_slice %arg7[%dma_wait3A_97, %dma_wait3A_98] : memref<79x128xi32, #tpu.memory_space<vmem>> -> memref<1x128xi32, #tpu.memory_space<vmem>>
    %dma_wait3A_100 = tpu.memref_squeeze %dma_wait3A_99 : memref<1x128xi32, #tpu.memory_space<vmem>> -> memref<128xi32, #tpu.memory_space<vmem>>
    %dma_wait3A_101 = arith.constant 0 : i32
    %dma_wait3A_102 = arith.constant 0 : i32
    %dma_wait3A_103 = tpu.memref_slice %arg12[%dma_wait3A_101, %dma_wait3A_102] : memref<10128x128xbf16, #tpu.memory_space<vmem_shared>> -> memref<10128x128xbf16, #tpu.memory_space<vmem_shared>>
    tpu.wait_indirect_dma semaphore(%arg17 : memref<!tpu.dma_semaphore, #tpu.memory_space<semaphore_mem>>) src(%arg8 : memref<128x128xbf16, #tpu.memory_space<vmem>>) dst(%dma_wait3A_103 : memref<10128x128xbf16, #tpu.memory_space<vmem_shared>>)
    %dma_start3A_104 = arith.constant 76 : i32
    %dma_start3A_105 = arith.constant 0 : i32
    %dma_start3A_106 = tpu.memref_slice %arg6[%dma_start3A_104, %dma_start3A_105] : memref<79x128xi32, #tpu.memory_space<vmem>> -> memref<1x128xi32, #tpu.memory_space<vmem>>
    %dma_start3A_107 = tpu.memref_squeeze %dma_start3A_106 : memref<1x128xi32, #tpu.memory_space<vmem>> -> memref<128xi32, #tpu.memory_space<vmem>>
    %dma_start3A_108 = arith.constant 0 : i32
    %dma_start3A_109 = arith.constant 0 : i32
    %dma_start3A_110 = tpu.memref_slice %arg2[%dma_start3A_108, %dma_start3A_109] : memref<10000x128xbf16, #tpu.memory_space<hbm>> -> memref<10000x128xbf16, #tpu.memory_space<hbm>>
    tpu.enqueue_indirect_dma source(%dma_start3A_110 : memref<10000x128xbf16, #tpu.memory_space<hbm>>) target(%arg8 : memref<128x128xbf16, #tpu.memory_space<vmem>>) offsets(%dma_start3A_107 : memref<128xi32, #tpu.memory_space<vmem>>) semaphore(%arg13 : memref<!tpu.dma_semaphore, #tpu.memory_space<semaphore_mem>>)
    %dma_wait3A_111 = arith.constant 75 : i32
    %dma_wait3A_112 = arith.constant 0 : i32
    %dma_wait3A_113 = tpu.memref_slice %arg6[%dma_wait3A_111, %dma_wait3A_112] : memref<79x128xi32, #tpu.memory_space<vmem>> -> memref<1x128xi32, #tpu.memory_space<vmem>>
    %dma_wait3A_114 = tpu.memref_squeeze %dma_wait3A_113 : memref<1x128xi32, #tpu.memory_space<vmem>> -> memref<128xi32, #tpu.memory_space<vmem>>
    %dma_wait3A_115 = arith.constant 0 : i32
    %dma_wait3A_116 = arith.constant 0 : i32
    %dma_wait3A_117 = tpu.memref_slice %arg2[%dma_wait3A_115, %dma_wait3A_116] : memref<10000x128xbf16, #tpu.memory_space<hbm>> -> memref<10000x128xbf16, #tpu.memory_space<hbm>>
    tpu.wait_indirect_dma semaphore(%arg16 : memref<!tpu.dma_semaphore, #tpu.memory_space<semaphore_mem>>) src(%dma_wait3A_117 : memref<10000x128xbf16, #tpu.memory_space<hbm>>) dst(%arg11 : memref<128x128xbf16, #tpu.memory_space<vmem>>)
    %dma_start3A_118 = arith.constant 75 : i32
    %dma_start3A_119 = arith.constant 0 : i32
    %dma_start3A_120 = tpu.memref_slice %arg7[%dma_start3A_118, %dma_start3A_119] : memref<79x128xi32, #tpu.memory_space<vmem>> -> memref<1x128xi32, #tpu.memory_space<vmem>>
    %dma_start3A_121 = tpu.memref_squeeze %dma_start3A_120 : memref<1x128xi32, #tpu.memory_space<vmem>> -> memref<128xi32, #tpu.memory_space<vmem>>
    %dma_start3A_122 = arith.constant 0 : i32
    %dma_start3A_123 = arith.constant 0 : i32
    %dma_start3A_124 = tpu.memref_slice %arg12[%dma_start3A_122, %dma_start3A_123] : memref<10128x128xbf16, #tpu.memory_space<vmem_shared>> -> memref<10128x128xbf16, #tpu.memory_space<vmem_shared>>
    tpu.enqueue_indirect_dma source(%arg11 : memref<128x128xbf16, #tpu.memory_space<vmem>>) target(%dma_start3A_124 : memref<10128x128xbf16, #tpu.memory_space<vmem_shared>>) offsets(%dma_start3A_121 : memref<128xi32, #tpu.memory_space<vmem>>) semaphore(%arg20 : memref<!tpu.dma_semaphore, #tpu.memory_space<semaphore_mem>>) {add = true}
    %dma_wait3A_125 = arith.constant 73 : i32
    %dma_wait3A_126 = arith.constant 0 : i32
    %dma_wait3A_127 = tpu.memref_slice %arg7[%dma_wait3A_125, %dma_wait3A_126] : memref<79x128xi32, #tpu.memory_space<vmem>> -> memref<1x128xi32, #tpu.memory_space<vmem>>
    %dma_wait3A_128 = tpu.memref_squeeze %dma_wait3A_127 : memref<1x128xi32, #tpu.memory_space<vmem>> -> memref<128xi32, #tpu.memory_space<vmem>>
    %dma_wait3A_129 = arith.constant 0 : i32
    %dma_wait3A_130 = arith.constant 0 : i32
    %dma_wait3A_131 = tpu.memref_slice %arg12[%dma_wait3A_129, %dma_wait3A_130] : memref<10128x128xbf16, #tpu.memory_space<vmem_shared>> -> memref<10128x128xbf16, #tpu.memory_space<vmem_shared>>
    tpu.wait_indirect_dma semaphore(%arg18 : memref<!tpu.dma_semaphore, #tpu.memory_space<semaphore_mem>>) src(%arg9 : memref<128x128xbf16, #tpu.memory_space<vmem>>) dst(%dma_wait3A_131 : memref<10128x128xbf16, #tpu.memory_space<vmem_shared>>)
    %dma_start3A_132 = arith.constant 77 : i32
    %dma_start3A_133 = arith.constant 0 : i32
    %dma_start3A_134 = tpu.memref_slice %arg6[%dma_start3A_132, %dma_start3A_133] : memref<79x128xi32, #tpu.memory_space<vmem>> -> memref<1x128xi32, #tpu.memory_space<vmem>>
    %dma_start3A_135 = tpu.memref_squeeze %dma_start3A_134 : memref<1x128xi32, #tpu.memory_space<vmem>> -> memref<128xi32, #tpu.memory_space<vmem>>
    %dma_start3A_136 = arith.constant 0 : i32
    %dma_start3A_137 = arith.constant 0 : i32
    %dma_start3A_138 = tpu.memref_slice %arg2[%dma_start3A_136, %dma_start3A_137] : memref<10000x128xbf16, #tpu.memory_space<hbm>> -> memref<10000x128xbf16, #tpu.memory_space<hbm>>
    tpu.enqueue_indirect_dma source(%dma_start3A_138 : memref<10000x128xbf16, #tpu.memory_space<hbm>>) target(%arg9 : memref<128x128xbf16, #tpu.memory_space<vmem>>) offsets(%dma_start3A_135 : memref<128xi32, #tpu.memory_space<vmem>>) semaphore(%arg14 : memref<!tpu.dma_semaphore, #tpu.memory_space<semaphore_mem>>)
    %dma_wait3A_139 = arith.constant 76 : i32
    %dma_wait3A_140 = arith.constant 0 : i32
    %dma_wait3A_141 = tpu.memref_slice %arg6[%dma_wait3A_139, %dma_wait3A_140] : memref<79x128xi32, #tpu.memory_space<vmem>> -> memref<1x128xi32, #tpu.memory_space<vmem>>
    %dma_wait3A_142 = tpu.memref_squeeze %dma_wait3A_141 : memref<1x128xi32, #tpu.memory_space<vmem>> -> memref<128xi32, #tpu.memory_space<vmem>>
    %dma_wait3A_143 = arith.constant 0 : i32
    %dma_wait3A_144 = arith.constant 0 : i32
    %dma_wait3A_145 = tpu.memref_slice %arg2[%dma_wait3A_143, %dma_wait3A_144] : memref<10000x128xbf16, #tpu.memory_space<hbm>> -> memref<10000x128xbf16, #tpu.memory_space<hbm>>
    tpu.wait_indirect_dma semaphore(%arg13 : memref<!tpu.dma_semaphore, #tpu.memory_space<semaphore_mem>>) src(%dma_wait3A_145 : memref<10000x128xbf16, #tpu.memory_space<hbm>>) dst(%arg8 : memref<128x128xbf16, #tpu.memory_space<vmem>>)
    %dma_start3A_146 = arith.constant 76 : i32
    %dma_start3A_147 = arith.constant 0 : i32
    %dma_start3A_148 = tpu.memref_slice %arg7[%dma_start3A_146, %dma_start3A_147] : memref<79x128xi32, #tpu.memory_space<vmem>> -> memref<1x128xi32, #tpu.memory_space<vmem>>
    %dma_start3A_149 = tpu.memref_squeeze %dma_start3A_148 : memref<1x128xi32, #tpu.memory_space<vmem>> -> memref<128xi32, #tpu.memory_space<vmem>>
    %dma_start3A_150 = arith.constant 0 : i32
    %dma_start3A_151 = arith.constant 0 : i32
    %dma_start3A_152 = tpu.memref_slice %arg12[%dma_start3A_150, %dma_start3A_151] : memref<10128x128xbf16, #tpu.memory_space<vmem_shared>> -> memref<10128x128xbf16, #tpu.memory_space<vmem_shared>>
    tpu.enqueue_indirect_dma source(%arg8 : memref<128x128xbf16, #tpu.memory_space<vmem>>) target(%dma_start3A_152 : memref<10128x128xbf16, #tpu.memory_space<vmem_shared>>) offsets(%dma_start3A_149 : memref<128xi32, #tpu.memory_space<vmem>>) semaphore(%arg17 : memref<!tpu.dma_semaphore, #tpu.memory_space<semaphore_mem>>) {add = true}
    %dma_wait3A_153 = arith.constant 74 : i32
    %dma_wait3A_154 = arith.constant 0 : i32
    %dma_wait3A_155 = tpu.memref_slice %arg7[%dma_wait3A_153, %dma_wait3A_154] : memref<79x128xi32, #tpu.memory_space<vmem>> -> memref<1x128xi32, #tpu.memory_space<vmem>>
    %dma_wait3A_156 = tpu.memref_squeeze %dma_wait3A_155 : memref<1x128xi32, #tpu.memory_space<vmem>> -> memref<128xi32, #tpu.memory_space<vmem>>
    %dma_wait3A_157 = arith.constant 0 : i32
    %dma_wait3A_158 = arith.constant 0 : i32
    %dma_wait3A_159 = tpu.memref_slice %arg12[%dma_wait3A_157, %dma_wait3A_158] : memref<10128x128xbf16, #tpu.memory_space<vmem_shared>> -> memref<10128x128xbf16, #tpu.memory_space<vmem_shared>>
    tpu.wait_indirect_dma semaphore(%arg19 : memref<!tpu.dma_semaphore, #tpu.memory_space<semaphore_mem>>) src(%arg10 : memref<128x128xbf16, #tpu.memory_space<vmem>>) dst(%dma_wait3A_159 : memref<10128x128xbf16, #tpu.memory_space<vmem_shared>>)
    %dma_start3A_160 = arith.constant 78 : i32
    %dma_start3A_161 = arith.constant 0 : i32
    %dma_start3A_162 = tpu.memref_slice %arg6[%dma_start3A_160, %dma_start3A_161] : memref<79x128xi32, #tpu.memory_space<vmem>> -> memref<1x128xi32, #tpu.memory_space<vmem>>
    %dma_start3A_163 = tpu.memref_squeeze %dma_start3A_162 : memref<1x128xi32, #tpu.memory_space<vmem>> -> memref<128xi32, #tpu.memory_space<vmem>>
    %dma_start3A_164 = arith.constant 0 : i32
    %dma_start3A_165 = arith.constant 0 : i32
    %dma_start3A_166 = tpu.memref_slice %arg2[%dma_start3A_164, %dma_start3A_165] : memref<10000x128xbf16, #tpu.memory_space<hbm>> -> memref<10000x128xbf16, #tpu.memory_space<hbm>>
    tpu.enqueue_indirect_dma source(%dma_start3A_166 : memref<10000x128xbf16, #tpu.memory_space<hbm>>) target(%arg10 : memref<128x128xbf16, #tpu.memory_space<vmem>>) offsets(%dma_start3A_163 : memref<128xi32, #tpu.memory_space<vmem>>) semaphore(%arg15 : memref<!tpu.dma_semaphore, #tpu.memory_space<semaphore_mem>>)
    %dma_wait3A_167 = arith.constant 77 : i32
    %dma_wait3A_168 = arith.constant 0 : i32
    %dma_wait3A_169 = tpu.memref_slice %arg6[%dma_wait3A_167, %dma_wait3A_168] : memref<79x128xi32, #tpu.memory_space<vmem>> -> memref<1x128xi32, #tpu.memory_space<vmem>>
    %dma_wait3A_170 = tpu.memref_squeeze %dma_wait3A_169 : memref<1x128xi32, #tpu.memory_space<vmem>> -> memref<128xi32, #tpu.memory_space<vmem>>
    %dma_wait3A_171 = arith.constant 0 : i32
    %dma_wait3A_172 = arith.constant 0 : i32
    %dma_wait3A_173 = tpu.memref_slice %arg2[%dma_wait3A_171, %dma_wait3A_172] : memref<10000x128xbf16, #tpu.memory_space<hbm>> -> memref<10000x128xbf16, #tpu.memory_space<hbm>>
    tpu.wait_indirect_dma semaphore(%arg14 : memref<!tpu.dma_semaphore, #tpu.memory_space<semaphore_mem>>) src(%dma_wait3A_173 : memref<10000x128xbf16, #tpu.memory_space<hbm>>) dst(%arg9 : memref<128x128xbf16, #tpu.memory_space<vmem>>)
    %dma_start3A_174 = arith.constant 77 : i32
    %dma_start3A_175 = arith.constant 0 : i32
    %dma_start3A_176 = tpu.memref_slice %arg7[%dma_start3A_174, %dma_start3A_175] : memref<79x128xi32, #tpu.memory_space<vmem>> -> memref<1x128xi32, #tpu.memory_space<vmem>>
    %dma_start3A_177 = tpu.memref_squeeze %dma_start3A_176 : memref<1x128xi32, #tpu.memory_space<vmem>> -> memref<128xi32, #tpu.memory_space<vmem>>
    %dma_start3A_178 = arith.constant 0 : i32
    %dma_start3A_179 = arith.constant 0 : i32
    %dma_start3A_180 = tpu.memref_slice %arg12[%dma_start3A_178, %dma_start3A_179] : memref<10128x128xbf16, #tpu.memory_space<vmem_shared>> -> memref<10128x128xbf16, #tpu.memory_space<vmem_shared>>
    tpu.enqueue_indirect_dma source(%arg9 : memref<128x128xbf16, #tpu.memory_space<vmem>>) target(%dma_start3A_180 : memref<10128x128xbf16, #tpu.memory_space<vmem_shared>>) offsets(%dma_start3A_177 : memref<128xi32, #tpu.memory_space<vmem>>) semaphore(%arg18 : memref<!tpu.dma_semaphore, #tpu.memory_space<semaphore_mem>>) {add = true}
    %dma_wait3A_181 = arith.constant 75 : i32
    %dma_wait3A_182 = arith.constant 0 : i32
    %dma_wait3A_183 = tpu.memref_slice %arg7[%dma_wait3A_181, %dma_wait3A_182] : memref<79x128xi32, #tpu.memory_space<vmem>> -> memref<1x128xi32, #tpu.memory_space<vmem>>
    %dma_wait3A_184 = tpu.memref_squeeze %dma_wait3A_183 : memref<1x128xi32, #tpu.memory_space<vmem>> -> memref<128xi32, #tpu.memory_space<vmem>>
    %dma_wait3A_185 = arith.constant 0 : i32
    %dma_wait3A_186 = arith.constant 0 : i32
    %dma_wait3A_187 = tpu.memref_slice %arg12[%dma_wait3A_185, %dma_wait3A_186] : memref<10128x128xbf16, #tpu.memory_space<vmem_shared>> -> memref<10128x128xbf16, #tpu.memory_space<vmem_shared>>
    tpu.wait_indirect_dma semaphore(%arg20 : memref<!tpu.dma_semaphore, #tpu.memory_space<semaphore_mem>>) src(%arg11 : memref<128x128xbf16, #tpu.memory_space<vmem>>) dst(%dma_wait3A_187 : memref<10128x128xbf16, #tpu.memory_space<vmem_shared>>)
    %dma_wait3A_188 = arith.constant 78 : i32
    %dma_wait3A_189 = arith.constant 0 : i32
    %dma_wait3A_190 = tpu.memref_slice %arg6[%dma_wait3A_188, %dma_wait3A_189] : memref<79x128xi32, #tpu.memory_space<vmem>> -> memref<1x128xi32, #tpu.memory_space<vmem>>
    %dma_wait3A_191 = tpu.memref_squeeze %dma_wait3A_190 : memref<1x128xi32, #tpu.memory_space<vmem>> -> memref<128xi32, #tpu.memory_space<vmem>>
    %dma_wait3A_192 = arith.constant 0 : i32
    %dma_wait3A_193 = arith.constant 0 : i32
    %dma_wait3A_194 = tpu.memref_slice %arg2[%dma_wait3A_192, %dma_wait3A_193] : memref<10000x128xbf16, #tpu.memory_space<hbm>> -> memref<10000x128xbf16, #tpu.memory_space<hbm>>
    tpu.wait_indirect_dma semaphore(%arg15 : memref<!tpu.dma_semaphore, #tpu.memory_space<semaphore_mem>>) src(%dma_wait3A_194 : memref<10000x128xbf16, #tpu.memory_space<hbm>>) dst(%arg10 : memref<128x128xbf16, #tpu.memory_space<vmem>>)
    %dma_start3A_195 = arith.constant 78 : i32
    %dma_start3A_196 = arith.constant 0 : i32
    %dma_start3A_197 = tpu.memref_slice %arg7[%dma_start3A_195, %dma_start3A_196] : memref<79x128xi32, #tpu.memory_space<vmem>> -> memref<1x128xi32, #tpu.memory_space<vmem>>
    %dma_start3A_198 = tpu.memref_squeeze %dma_start3A_197 : memref<1x128xi32, #tpu.memory_space<vmem>> -> memref<128xi32, #tpu.memory_space<vmem>>
    %dma_start3A_199 = arith.constant 0 : i32
    %dma_start3A_200 = arith.constant 0 : i32
    %dma_start3A_201 = tpu.memref_slice %arg12[%dma_start3A_199, %dma_start3A_200] : memref<10128x128xbf16, #tpu.memory_space<vmem_shared>> -> memref<10128x128xbf16, #tpu.memory_space<vmem_shared>>
    tpu.enqueue_indirect_dma source(%arg10 : memref<128x128xbf16, #tpu.memory_space<vmem>>) target(%dma_start3A_201 : memref<10128x128xbf16, #tpu.memory_space<vmem_shared>>) offsets(%dma_start3A_198 : memref<128xi32, #tpu.memory_space<vmem>>) semaphore(%arg19 : memref<!tpu.dma_semaphore, #tpu.memory_space<semaphore_mem>>) {add = true}
    %dma_wait3A_202 = arith.constant 76 : i32
    %dma_wait3A_203 = arith.constant 0 : i32
    %dma_wait3A_204 = tpu.memref_slice %arg7[%dma_wait3A_202, %dma_wait3A_203] : memref<79x128xi32, #tpu.memory_space<vmem>> -> memref<1x128xi32, #tpu.memory_space<vmem>>
    %dma_wait3A_205 = tpu.memref_squeeze %dma_wait3A_204 : memref<1x128xi32, #tpu.memory_space<vmem>> -> memref<128xi32, #tpu.memory_space<vmem>>
    %dma_wait3A_206 = arith.constant 0 : i32
    %dma_wait3A_207 = arith.constant 0 : i32
    %dma_wait3A_208 = tpu.memref_slice %arg12[%dma_wait3A_206, %dma_wait3A_207] : memref<10128x128xbf16, #tpu.memory_space<vmem_shared>> -> memref<10128x128xbf16, #tpu.memory_space<vmem_shared>>
    tpu.wait_indirect_dma semaphore(%arg17 : memref<!tpu.dma_semaphore, #tpu.memory_space<semaphore_mem>>) src(%arg8 : memref<128x128xbf16, #tpu.memory_space<vmem>>) dst(%dma_wait3A_208 : memref<10128x128xbf16, #tpu.memory_space<vmem_shared>>)
    %dma_wait3A_209 = arith.constant 77 : i32
    %dma_wait3A_210 = arith.constant 0 : i32
    %dma_wait3A_211 = tpu.memref_slice %arg7[%dma_wait3A_209, %dma_wait3A_210] : memref<79x128xi32, #tpu.memory_space<vmem>> -> memref<1x128xi32, #tpu.memory_space<vmem>>
    %dma_wait3A_212 = tpu.memref_squeeze %dma_wait3A_211 : memref<1x128xi32, #tpu.memory_space<vmem>> -> memref<128xi32, #tpu.memory_space<vmem>>
    %dma_wait3A_213 = arith.constant 0 : i32
    %dma_wait3A_214 = arith.constant 0 : i32
    %dma_wait3A_215 = tpu.memref_slice %arg12[%dma_wait3A_213, %dma_wait3A_214] : memref<10128x128xbf16, #tpu.memory_space<vmem_shared>> -> memref<10128x128xbf16, #tpu.memory_space<vmem_shared>>
    tpu.wait_indirect_dma semaphore(%arg18 : memref<!tpu.dma_semaphore, #tpu.memory_space<semaphore_mem>>) src(%arg9 : memref<128x128xbf16, #tpu.memory_space<vmem>>) dst(%dma_wait3A_215 : memref<10128x128xbf16, #tpu.memory_space<vmem_shared>>)
    %dma_wait3A_216 = arith.constant 78 : i32
    %dma_wait3A_217 = arith.constant 0 : i32
    %dma_wait3A_218 = tpu.memref_slice %arg7[%dma_wait3A_216, %dma_wait3A_217] : memref<79x128xi32, #tpu.memory_space<vmem>> -> memref<1x128xi32, #tpu.memory_space<vmem>>
    %dma_wait3A_219 = tpu.memref_squeeze %dma_wait3A_218 : memref<1x128xi32, #tpu.memory_space<vmem>> -> memref<128xi32, #tpu.memory_space<vmem>>
    %dma_wait3A_220 = arith.constant 0 : i32
    %dma_wait3A_221 = arith.constant 0 : i32
    %dma_wait3A_222 = tpu.memref_slice %arg12[%dma_wait3A_220, %dma_wait3A_221] : memref<10128x128xbf16, #tpu.memory_space<vmem_shared>> -> memref<10128x128xbf16, #tpu.memory_space<vmem_shared>>
    tpu.wait_indirect_dma semaphore(%arg19 : memref<!tpu.dma_semaphore, #tpu.memory_space<semaphore_mem>>) src(%arg10 : memref<128x128xbf16, #tpu.memory_space<vmem>>) dst(%dma_wait3A_222 : memref<10128x128xbf16, #tpu.memory_space<vmem_shared>>)
    %barrier3A_223 = arith.constant 0 : index
    tpu.barrier barrier_id(%barrier3A_223)
    %mul3A_224 = arith.constant 625 : i32
    %mul3A_225 = arith.muli %arg1, %mul3A_224 : i32
    %mul3A_226 = arith.constant 625 : i32
    %mul3A_227 = arith.muli %arg1, %mul3A_226 : i32
    "tpu.region"() ({
      %run_scoped3A = tpu.sem_alloc : memref<!tpu.dma_semaphore, #tpu.memory_space<semaphore_mem>>
      %dma_start3A_228 = arith.constant 0 : i32
      %dma_start3A_229 = tpu.memref_slice %arg5[%arg0, %mul3A_227, %dma_start3A_228] : memref<2x10000x128xbf16, #tpu.memory_space<hbm>> -> memref<1x625x128xbf16, #tpu.memory_space<hbm>>
      %dma_start3A_230 = tpu.memref_squeeze %dma_start3A_229 : memref<1x625x128xbf16, #tpu.memory_space<hbm>> -> memref<625x128xbf16, #tpu.memory_space<hbm>>
      %dma_start3A_231 = arith.constant 0 : i32
      %dma_start3A_232 = tpu.memref_slice %arg12[%mul3A_225, %dma_start3A_231] : memref<10128x128xbf16, #tpu.memory_space<vmem_shared>> -> memref<625x128xbf16, #tpu.memory_space<vmem_shared>>
      tpu.enqueue_dma source(%dma_start3A_232 : memref<625x128xbf16, #tpu.memory_space<vmem_shared>>) target(%dma_start3A_230 : memref<625x128xbf16, #tpu.memory_space<hbm>>) target_semaphore(%run_scoped3A : memref<!tpu.dma_semaphore, #tpu.memory_space<semaphore_mem>>)
      %dma_wait3A_233 = arith.constant 0 : i32
      %dma_wait3A_234 = tpu.memref_slice %arg5[%arg0, %mul3A_227, %dma_wait3A_233] : memref<2x10000x128xbf16, #tpu.memory_space<hbm>> -> memref<1x625x128xbf16, #tpu.memory_space<hbm>>
      %dma_wait3A_235 = tpu.memref_squeeze %dma_wait3A_234 : memref<1x625x128xbf16, #tpu.memory_space<hbm>> -> memref<625x128xbf16, #tpu.memory_space<hbm>>
      %dma_wait3A_236 = arith.constant 0 : i32
      %dma_wait3A_237 = tpu.memref_slice %arg12[%mul3A_225, %dma_wait3A_236] : memref<10128x128xbf16, #tpu.memory_space<vmem_shared>> -> memref<625x128xbf16, #tpu.memory_space<vmem_shared>>
      tpu.wait_dma2 semaphore(%run_scoped3A : memref<!tpu.dma_semaphore, #tpu.memory_space<semaphore_mem>>) src(%dma_wait3A_237 : memref<625x128xbf16, #tpu.memory_space<vmem_shared>>) dst(%dma_wait3A_235 : memref<625x128xbf16, #tpu.memory_space<hbm>>)
      tpu.yield
    }) : () -> ()
    return
  }
}

module attributes {stable_mosaic.version = 14 : i64} {
  func.func @_tc_linear_body(%arg0: i32, %arg1: memref<2x1000x16xf32, #tpu.memory_space<vmem>>, %arg2: memref<1000x128xf32, #tpu.memory_space<vmem>>, %arg3: memref<128x128xf32, #tpu.memory_space<vmem>>, %arg4: memref<1000x128xbf16, #tpu.memory_space<vmem>>) attributes {dimension_semantics = [#tpu.dimension_semantics<arbitrary>], iteration_bounds = array<i64: 10>, scalar_prefetch = 0 : i64, scratch_operands = 0 : i64, tpu.core_type = #tpu.core_type<tc>, window_params = [{transform_indices = @transform_0, window_bounds = array<i64: 2, 1000, 16>}, {transform_indices = @transform_1, window_bounds = array<i64: 1000, 128>}, {pipeline_mode = #tpu.pipeline_mode<synchronous>, transform_indices = @transform_2, window_bounds = array<i64: 128, 128>}, {transform_indices = @transform_3, window_bounds = array<i64: 1000, 128>}]} {
    %get3A = arith.constant 0 : index
    %get3A_0 = arith.constant 0 : index
    %get3A_1 = arith.constant 0 : index
    %get3A_2 = vector.load %arg1[%get3A, %get3A_0, %get3A_1] : memref<2x1000x16xf32, #tpu.memory_space<vmem>>, vector<1x1000x1xf32>
    %get3A_3 = vector.shape_cast %get3A_2 : vector<1x1000x1xf32> to vector<1000xf32>
    %get3A_4 = arith.constant 1 : index
    %get3A_5 = arith.constant 0 : index
    %get3A_6 = arith.constant 0 : index
    %get3A_7 = vector.load %arg1[%get3A_4, %get3A_5, %get3A_6] : memref<2x1000x16xf32, #tpu.memory_space<vmem>>, vector<1x1000x1xf32>
    %get3A_8 = vector.shape_cast %get3A_7 : vector<1x1000x1xf32> to vector<1000xf32>
    %add3A = arith.addf %get3A_3, %get3A_8 : vector<1000xf32>
    %add3A_9 = arith.constant 1.000000e+00 : f32
    %add3A_10 = vector.broadcast %add3A_9 : f32 to vector<1000xf32>
    %add3A_11 = arith.addf %add3A, %add3A_10 : vector<1000xf32>
    %rsqrt3A = math.rsqrt %add3A_11 : vector<1000xf32>
    %get3A_12 = arith.constant 0 : index
    %get3A_13 = arith.constant 0 : index
    %get3A_14 = vector.load %arg2[%get3A_12, %get3A_13] : memref<1000x128xf32, #tpu.memory_space<vmem>>, vector<1000x128xf32>
    %get3A_15 = arith.constant 0 : index
    %get3A_16 = arith.constant 0 : index
    %get3A_17 = vector.load %arg3[%get3A_15, %get3A_16] : memref<128x128xf32, #tpu.memory_space<vmem>>, vector<128x128xf32>
    %dot_general3A = arith.constant dense<0.000000e+00> : vector<1000x128xf32>
    %dot_general3A_18 = tpu.matmul %get3A_14, %get3A_17, %dot_general3A {dimension_numbers = #tpu.dot_dimension_numbers<[1], [0], [0], [1], [0, 0, 1, 1], [], []>, transpose_lhs_hint = false} : vector<1000x128xf32>, vector<128x128xf32>, vector<1000x128xf32> -> vector<1000x128xf32>
    %broadcast_in_dim3A = vector.shape_cast %rsqrt3A : vector<1000xf32> to vector<1000x1xf32>
    %mul3A = vector.broadcast %broadcast_in_dim3A : vector<1000x1xf32> to vector<1000x128xf32>
    %mul3A_19 = arith.mulf %dot_general3A_18, %mul3A : vector<1000x128xf32>
    %convert_element_type3A = arith.truncf %mul3A_19 : vector<1000x128xf32> to vector<1000x128xbf16>
    %swap3A = arith.constant 0 : index
    %swap3A_20 = arith.constant 0 : index
    %swap3A_21 = vector.load %arg4[%swap3A, %swap3A_20] : memref<1000x128xbf16, #tpu.memory_space<vmem>>, vector<1000x128xbf16>
    tpu.vector_store %arg4[%swap3A, %swap3A_20], %convert_element_type3A {strides = array<i32>} : memref<1000x128xbf16, #tpu.memory_space<vmem>>, vector<1000x128xbf16>,
    return
  }
  func.func @transform_0(%arg0: i32) -> (i32, i32, i32) {
    %c0_i32 = arith.constant 0 : i32
    %c0_i32_0 = arith.constant 0 : i32
    %c0_i32_1 = arith.constant 0 : i32
    return %c0_i32, %arg0, %c0_i32_0 : i32, i32, i32
  }
  func.func @transform_1(%arg0: i32) -> (i32, i32) {
    %c0_i32 = arith.constant 0 : i32
    %c0_i32_0 = arith.constant 0 : i32
    return %arg0, %c0_i32 : i32, i32
  }
  func.func @transform_2(%arg0: i32) -> (i32, i32) {
    %c0_i32 = arith.constant 0 : i32
    %c0_i32_0 = arith.constant 0 : i32
    %c0_i32_1 = arith.constant 0 : i32
    return %c0_i32, %c0_i32_0 : i32, i32
  }
  func.func @transform_3(%arg0: i32) -> (i32, i32) {
    %c0_i32 = arith.constant 0 : i32
    %c0_i32_0 = arith.constant 0 : i32
    return %arg0, %c0_i32 : i32, i32
  }
}

module attributes {stable_mosaic.version = 14 : i64} {
  func.func @_tc_final_body(%arg0: i32, %arg1: memref<2x1000x128xbf16, #tpu.memory_space<vmem>>, %arg2: memref<1000x128xbf16, #tpu.memory_space<vmem>>, %arg3: memref<2x1000x16xf32, #tpu.memory_space<vmem>>, %arg4: memref<1x128xf32, #tpu.memory_space<vmem>>, %arg5: memref<1x128xf32, #tpu.memory_space<vmem>>, %arg6: memref<1x128xf32, #tpu.memory_space<vmem>>, %arg7: memref<1000x128xf32, #tpu.memory_space<vmem>>) attributes {dimension_semantics = [#tpu.dimension_semantics<arbitrary>], iteration_bounds = array<i64: 10>, scalar_prefetch = 0 : i64, scratch_operands = 0 : i64, tpu.core_type = #tpu.core_type<tc>, window_params = [{transform_indices = @transform_0, window_bounds = array<i64: 2, 1000, 128>}, {transform_indices = @transform_1, window_bounds = array<i64: 1000, 128>}, {transform_indices = @transform_2, window_bounds = array<i64: 2, 1000, 16>}, {pipeline_mode = #tpu.pipeline_mode<synchronous>, transform_indices = @transform_3, window_bounds = array<i64: 1, 128>}, {pipeline_mode = #tpu.pipeline_mode<synchronous>, transform_indices = @transform_4, window_bounds = array<i64: 1, 128>}, {pipeline_mode = #tpu.pipeline_mode<synchronous>, transform_indices = @transform_5, window_bounds = array<i64: 1, 128>}, {transform_indices = @transform_6, window_bounds = array<i64: 1000, 128>}]} {
    %get3A = arith.constant 0 : index
    %get3A_0 = arith.constant 0 : index
    %get3A_1 = arith.constant 0 : index
    %get3A_2 = vector.load %arg3[%get3A, %get3A_0, %get3A_1] : memref<2x1000x16xf32, #tpu.memory_space<vmem>>, vector<1x1000x1xf32>
    %get3A_3 = vector.shape_cast %get3A_2 : vector<1x1000x1xf32> to vector<1000xf32>
    %get3A_4 = arith.constant 1 : index
    %get3A_5 = arith.constant 0 : index
    %get3A_6 = arith.constant 0 : index
    %get3A_7 = vector.load %arg3[%get3A_4, %get3A_5, %get3A_6] : memref<2x1000x16xf32, #tpu.memory_space<vmem>>, vector<1x1000x1xf32>
    %get3A_8 = vector.shape_cast %get3A_7 : vector<1x1000x1xf32> to vector<1000xf32>
    %add3A = arith.addf %get3A_3, %get3A_8 : vector<1000xf32>
    %add3A_9 = arith.constant 1.000000e+00 : f32
    %add3A_10 = vector.broadcast %add3A_9 : f32 to vector<1000xf32>
    %add3A_11 = arith.addf %add3A, %add3A_10 : vector<1000xf32>
    %rsqrt3A = math.rsqrt %add3A_11 : vector<1000xf32>
    %get3A_12 = arith.constant 0 : index
    %get3A_13 = arith.constant 0 : index
    %get3A_14 = arith.constant 0 : index
    %get3A_15 = vector.load %arg1[%get3A_12, %get3A_13, %get3A_14] : memref<2x1000x128xbf16, #tpu.memory_space<vmem>>, vector<1x1000x128xbf16>
    %get3A_16 = vector.shape_cast %get3A_15 : vector<1x1000x128xbf16> to vector<1000x128xbf16>
    %convert_element_type3A = arith.extf %get3A_16 : vector<1000x128xbf16> to vector<1000x128xf32>
    %get3A_17 = arith.constant 1 : index
    %get3A_18 = arith.constant 0 : index
    %get3A_19 = arith.constant 0 : index
    %get3A_20 = vector.load %arg1[%get3A_17, %get3A_18, %get3A_19] : memref<2x1000x128xbf16, #tpu.memory_space<vmem>>, vector<1x1000x128xbf16>
    %get3A_21 = vector.shape_cast %get3A_20 : vector<1x1000x128xbf16> to vector<1000x128xbf16>
    %convert_element_type3A_22 = arith.extf %get3A_21 : vector<1000x128xbf16> to vector<1000x128xf32>
    %add3A_23 = arith.addf %convert_element_type3A, %convert_element_type3A_22 : vector<1000x128xf32>
    %get3A_24 = arith.constant 0 : index
    %get3A_25 = arith.constant 0 : index
    %get3A_26 = vector.load %arg2[%get3A_24, %get3A_25] : memref<1000x128xbf16, #tpu.memory_space<vmem>>, vector<1000x128xbf16>
    %convert_element_type3A_27 = arith.extf %get3A_26 : vector<1000x128xbf16> to vector<1000x128xf32>
    %add3A_28 = arith.addf %add3A_23, %convert_element_type3A_27 : vector<1000x128xf32>
    %sqrt3A = arith.constant 1.000010e+00 : f32
    %sqrt3A_29 = math.sqrt %sqrt3A : f32
    %div3A = arith.constant 1.000000e+00 : f32
    %div3A_30 = arith.divf %div3A, %sqrt3A_29 : f32
    %broadcast_in_dim3A = vector.shape_cast %rsqrt3A : vector<1000xf32> to vector<1000x1xf32>
    %mul3A = vector.broadcast %broadcast_in_dim3A : vector<1000x1xf32> to vector<1000x128xf32>
    %mul3A_31 = arith.mulf %add3A_28, %mul3A : vector<1000x128xf32>
    %get3A_32 = arith.constant 0 : index
    %get3A_33 = arith.constant 0 : index
    %get3A_34 = vector.load %arg4[%get3A_32, %get3A_33] : memref<1x128xf32, #tpu.memory_space<vmem>>, vector<1x128xf32>
    %get3A_35 = vector.shape_cast %get3A_34 : vector<1x128xf32> to vector<128xf32>
    %broadcast_in_dim3A_36 = vector.shape_cast %get3A_35 : vector<128xf32> to vector<1x128xf32>
    %add3A_37 = vector.broadcast %broadcast_in_dim3A_36 : vector<1x128xf32> to vector<1000x128xf32>
    %add3A_38 = arith.addf %mul3A_31, %add3A_37 : vector<1000x128xf32>
    %get3A_39 = arith.constant 0 : index
    %get3A_40 = arith.constant 0 : index
    %get3A_41 = vector.load %arg5[%get3A_39, %get3A_40] : memref<1x128xf32, #tpu.memory_space<vmem>>, vector<1x128xf32>
    %get3A_42 = vector.shape_cast %get3A_41 : vector<1x128xf32> to vector<128xf32>
    %mul3A_43 = vector.broadcast %div3A_30 : f32 to vector<128xf32>
    %mul3A_44 = arith.mulf %get3A_42, %mul3A_43 : vector<128xf32>
    %broadcast_in_dim3A_45 = vector.shape_cast %mul3A_44 : vector<128xf32> to vector<1x128xf32>
    %mul3A_46 = vector.broadcast %broadcast_in_dim3A_45 : vector<1x128xf32> to vector<1000x128xf32>
    %mul3A_47 = arith.mulf %add3A_38, %mul3A_46 : vector<1000x128xf32>
    %get3A_48 = arith.constant 0 : index
    %get3A_49 = arith.constant 0 : index
    %get3A_50 = vector.load %arg6[%get3A_48, %get3A_49] : memref<1x128xf32, #tpu.memory_space<vmem>>, vector<1x128xf32>
    %get3A_51 = vector.shape_cast %get3A_50 : vector<1x128xf32> to vector<128xf32>
    %broadcast_in_dim3A_52 = vector.shape_cast %get3A_51 : vector<128xf32> to vector<1x128xf32>
    %add3A_53 = vector.broadcast %broadcast_in_dim3A_52 : vector<1x128xf32> to vector<1000x128xf32>
    %add3A_54 = arith.addf %mul3A_47, %add3A_53 : vector<1000x128xf32>
    %max3A = arith.constant 0.000000e+00 : f32
    %max3A_55 = vector.broadcast %max3A : f32 to vector<1000x128xf32>
    %max3A_56 = arith.maximumf %add3A_54, %max3A_55 : vector<1000x128xf32>
    %swap3A = arith.constant 0 : index
    %swap3A_57 = arith.constant 0 : index
    %swap3A_58 = vector.load %arg7[%swap3A, %swap3A_57] : memref<1000x128xf32, #tpu.memory_space<vmem>>, vector<1000x128xf32>
    tpu.vector_store %arg7[%swap3A, %swap3A_57], %max3A_56 {strides = array<i32>} : memref<1000x128xf32, #tpu.memory_space<vmem>>, vector<1000x128xf32>,
    return
  }
  func.func @transform_0(%arg0: i32) -> (i32, i32, i32) {
    %c0_i32 = arith.constant 0 : i32
    %c0_i32_0 = arith.constant 0 : i32
    %c0_i32_1 = arith.constant 0 : i32
    return %c0_i32, %arg0, %c0_i32_0 : i32, i32, i32
  }
  func.func @transform_1(%arg0: i32) -> (i32, i32) {
    %c0_i32 = arith.constant 0 : i32
    %c0_i32_0 = arith.constant 0 : i32
    return %arg0, %c0_i32 : i32, i32
  }
  func.func @transform_2(%arg0: i32) -> (i32, i32, i32) {
    %c0_i32 = arith.constant 0 : i32
    %c0_i32_0 = arith.constant 0 : i32
    %c0_i32_1 = arith.constant 0 : i32
    return %c0_i32, %arg0, %c0_i32_0 : i32, i32, i32
  }
  func.func @transform_3(%arg0: i32) -> (i32, i32) {
    %c0_i32 = arith.constant 0 : i32
    %c0_i32_0 = arith.constant 0 : i32
    %c0_i32_1 = arith.constant 0 : i32
    return %c0_i32, %c0_i32_0 : i32, i32
  }
  func.func @transform_4(%arg0: i32) -> (i32, i32) {
    %c0_i32 = arith.constant 0 : i32
    %c0_i32_0 = arith.constant 0 : i32
    %c0_i32_1 = arith.constant 0 : i32
    return %c0_i32, %c0_i32_0 : i32, i32
  }
  func.func @transform_5(%arg0: i32) -> (i32, i32) {
    %c0_i32 = arith.constant 0 : i32
    %c0_i32_0 = arith.constant 0 : i32
    %c0_i32_1 = arith.constant 0 : i32
    return %c0_i32, %c0_i32_0 : i32, i32
  }
  func.func @transform_6(%arg0: i32) -> (i32, i32) {
    %c0_i32 = arith.constant 0 : i32
    %c0_i32_0 = arith.constant 0 : i32
    return %arg0, %c0_i32 : i32, i32
  }
}

</mosaic_0001>

<sc_bundles>
// kernel: kernel.6.cloned.1.call-start
scs
__scs_entry_jumppad:
0x0: {  	(pc) =	sbr.rel $0x88, $3  }
0x1: {  	(tag) =	ssettag $0x0;
	lr =	simm.s32 $0x1  }
0x2: {  	[smem:$0x3F9B] =	sst lr;
	_ =	strace $0xD0000000  }
0x3: {  	_ = 	snop  }
0x4: {  	_ = 	snop  }
0x5: {  	_ = 	snop  }
0x6: {  	_ = 	snop  }
0x7: {  	_ = 	snop  }
__scs_overlays_trampoline_lowered:
0x8: {  	[smem:$0x3FAA] =	sst s0  }
0x9: {  	[smem:$0x3FAB] =	sst s1  }
0xa: {  	[smem:$0x3FAC] =	sst s2  }
0xb: {  	[smem:$0x3FAD] =	sst s3  }
0xc: {  	[smem:$0x3FAE] =	sst s4  }
0xd: {  	[smem:$0x3FAF] =	sst s5  }
0xe: {  	[smem:$0x3FB0] =	sst s6  }
0xf: {  	[smem:$0x3FB1] =	sst s7  }
0x10: {  	[smem:$0x3FB2] =	sst s8  }
0x11: {  	[smem:$0x3FB3] =	sst s9;
	s0 =	simm.s32 @!p0 $0x0  }
0x12: {  	s1 =	sld [smem:$0x3F99];
	s0 =	simm.s32 @p0 $0x1  }
0x13: {  	[smem:$0x3FB4] =	sst s0;
	s0 =	simm.s32 @!p1 $0x0  }
0x14: {  	s2 =	sld [smem:$0x3F98];
	s0 =	simm.s32 @p1 $0x1  }
0x15: {  	[smem:$0x3FB5] =	sst s0;
	s0 =	simm.s32 @!p2 $0x0  }
0x16: {  	s3 =	sld [smem:$0x3FDB];
	s0 =	simm.s32 @p2 $0x1  }
0x17: {  	s4 =	simm.s32 $0x1BF5;
	[smem:$0x3FB7] =	sst s0  }
0x18: {  	s0 =	sld [smem:$0x3F9A];
	_ =	swait.ge [sflag:s4], $0x0  }
0x19: {  	s7 =	sld [smem:$0x3F9B]  }
0x1a: {  	s8 =	sadd.s32 $0xFFFFE003, lr  }
0x1b: {  	s9 =	sadd.s32 $0xFFFFFEF7, lr;
	s5 =	simm.s32 $0xFFFFFFFF;
	p2 =	slt.u32 s8, $0xFFFFF086  }
0x1c: {  	p1 =	slt.u32 s9, $0xF7A;
	s5 =	simm.s32 @!p2 $0x0  }
0x1d: {  	s5 =	simm.s32 @p1 $0x1;
	p0 =	seq.s32 s7, s2  }
0x1e: {  	s7 =	smul.u32 @!p0 $0xF7A, s2;
	p2 =	seq.s32 @!p0 s5, $0x0  }
0x1f: {  	s9 =	smul.u32 $0xF7A, s1;
	s8 =	simm.s32 @!p0 $0x1BF5;
	p2 =	por !p2, p0  }
0x20: {  	[sflag:s8] =	ssyncset.s32 @!p0 $0xFFFFF086;
	s6 =	sadd.s32 @!p0 s3, s7;
	s7 =	simm.s32 @!p0 $0x108  }
0x21: {  	s3 =	sadd.s32 s3, s9;
	s6 =	sadd.s32 @!p0 $0x88, s6;
	s7 =	simm.s32 @p2 $0x1082  }
0x22: {  	[simem:s7], [sflag:s8] =	dma.local @!p0 [hbm:s6], $0xF7A  }
0x23: {  	s9 =	sor.u32 $0xD0000000, s2;
	s6 =	simm.s32 $0x108;
	_ =	swait.ge @!p0 [sflag:s8], $0x0  }
0x24: {  	s3 =	sadd.s32 $0x88, s3;
	s6 =	simm.s32 @!p1 $0x1082;
	[sflag:s4] =	ssyncset.s32 $0xFFFFF086  }
0x25: {  	[simem:s6], [sflag:s4] =	dma.local [hbm:s3], $0xF7A  }
0x26: {  	[smem:$0x3F9B] =	sst s1;
	(tag) =	ssettag s2;
	_ =	strace s9  }
0x27: {  	s1 =	sld [smem:$0x3FAB]  }
0x28: {  	s2 =	sld [smem:$0x3FAC]  }
0x29: {  	s4 =	sld [smem:$0x3FAE]  }
0x2a: {  	p0 =	seq.s32 s5, $0x0;
	s5 =	sld [smem:$0x3FAF]  }
0x2b: {  	s6 =	sld [smem:$0x3FB0]  }
0x2c: {  	s7 =	sld [smem:$0x3FB1]  }
0x2d: {  	s3 =	simm.s32 $0x108;
	s8 =	sld [smem:$0x3FB2]  }
0x2e: {  	s3 =	simm.s32 @!p0 $0x1082;
	s9 =	sld [smem:$0x3FB3]  }
0x2f: {  	lr =	sadd.s32 s0, s3;
	s0 =	sld [smem:$0x3FAA]  }
0x30: {  	s3 =	sld [smem:$0x3FAD]  }
0x31: {  	[smem:$0x3FB6] =	sst s10  }
0x32: {  	s10 =	sld [smem:$0x3FB4];
	_ =	sdelay $0x3  }
0x33: {  	p0 =	seq.s32 s10, $0x1;
	s10 =	sld [smem:$0x3FB6];
	_ =	sdelay $0x3  }
0x34: {  	[smem:$0x3FB6] =	sst s10  }
0x35: {  	s10 =	sld [smem:$0x3FB5];
	_ =	sdelay $0x3  }
0x36: {  	p1 =	seq.s32 s10, $0x1;
	s10 =	sld [smem:$0x3FB6];
	_ =	sdelay $0x3  }
0x37: {  	[smem:$0x3FB6] =	sst s10  }
0x38: {  	s10 =	sld [smem:$0x3FB7]  }
0x39: {  	_ = 	snop;
	(pc) =	sbr.ind lr, $3  }
0x3a: {  	_ = 	snop  }
0x3b: {  	_ = 	snop  }
0x3c: {  	p2 =	seq.s32 s10, $0x1;
	s10 =	sld [smem:$0x3FB6]  }
0x3d: {  	_ =	shalt  }
0x3e: {  	_ =	shalt  }
0x3f: {  	_ =	shalt  }
0x40: {  	_ =	shalt  }
0x41: {  	_ =	shalt  }
0x42: {  	_ =	shalt  }
0x43: {  	_ =	shalt  }
0x44: {  	_ =	shalt  }
0x45: {  	_ =	shalt  }
0x46: {  	_ =	shalt  }
0x47: {  	_ =	shalt  }
0x48: {  	_ =	shalt  }
0x49: {  	_ =	shalt  }
0x4a: {  	_ =	shalt  }
0x4b: {  	_ =	shalt  }
0x4c: {  	_ =	shalt  }
0x4d: {  	_ =	shalt  }
0x4e: {  	_ =	shalt  }
0x4f: {  	_ =	shalt  }
0x50: {  	_ =	shalt  }
0x51: {  	_ =	shalt  }
0x52: {  	_ =	shalt  }
0x53: {  	_ =	shalt  }
0x54: {  	_ =	shalt  }
0x55: {  	_ =	shalt  }
0x56: {  	_ =	shalt  }
0x57: {  	_ =	shalt  }
0x58: {  	_ =	shalt  }
0x59: {  	_ =	shalt  }
0x5a: {  	_ =	shalt  }
0x5b: {  	_ =	shalt  }
0x5c: {  	_ =	shalt  }
0x5d: {  	_ =	shalt  }
0x5e: {  	_ =	shalt  }
0x5f: {  	_ =	shalt  }
0x60: {  	_ =	shalt  }
0x61: {  	_ =	shalt  }
0x62: {  	_ =	shalt  }
0x63: {  	_ =	shalt  }
0x64: {  	_ =	shalt  }
0x65: {  	_ =	shalt  }
0x66: {  	_ =	shalt  }
0x67: {  	_ =	shalt  }
0x68: {  	_ =	shalt  }
0x69: {  	_ =	shalt  }
0x6a: {  	_ =	shalt  }
0x6b: {  	_ =	shalt  }
0x6c: {  	_ =	shalt  }
0x6d: {  	_ =	shalt  }
0x6e: {  	_ =	shalt  }
0x6f: {  	_ =	shalt  }
0x70: {  	_ =	shalt  }
0x71: {  	_ =	shalt  }
0x72: {  	_ =	shalt  }
0x73: {  	_ =	shalt  }
0x74: {  	_ =	shalt  }
0x75: {  	_ =	shalt  }
0x76: {  	_ =	shalt  }
0x77: {  	_ =	shalt  }
0x78: {  	_ =	shalt  }
0x79: {  	_ =	shalt  }
0x7a: {  	_ =	shalt  }
0x7b: {  	_ =	shalt  }
0x7c: {  	_ =	shalt  }
0x7d: {  	_ =	shalt  }
0x7e: {  	_ =	shalt  }
0x7f: {  	_ =	shalt  }
0x80: {  	_ =	shalt  }
0x81: {  	_ =	shalt  }
0x82: {  	_ =	shalt  }
0x83: {  	_ =	shalt  }
0x84: {  	_ =	shalt  }
0x85: {  	_ =	shalt  }
0x86: {  	_ =	shalt  }
0x87: {  	_ =	shalt  }
.Lfunc_end0:
.L_simem_size_0:
called_computation_lowered:
.L_overlay_start_0:
0x88: {  	s2 =	sld [smem:$0x3FD9]  }
0x89: {  	s3 =	sld [smem:$0x3FFE];
	_ =	sdelay $0x1  }
0x8a: {  	s1 =	srdreg.scid  }
0x8b: {  	s0 =	sand.u32 $0x1, s1  }
0x8c: {  	s17 =	sshll.u32 s0, $0xA;
	s2 =	sadd.s32 s3, s2  }
0x8d: {  	s2 =	sadd.s32 s2, s17  }
0x8e: {  	[smem:$0x3FC2] =	sst s2  }
0x8f: {  	_ = 	snop  }
0x90: {  	s2 =	sld [smem:$0x3FD0];
	(tm) =	ssettm $0x1  }
0x91: {  	s18 =	sld [smem:$0x3FFB];
	_ =	sdelay $0x3  }
0x92: {  	_ =	strace s18  }
0x93: {  	s3 =	sld [smem:$0x3FFC];
	_ =	sdelay $0x3  }
0x94: {  	_ =	strace s3  }
0x95: {  	s3 =	sld [smem:$0x3FFD];
	_ =	sdelay $0x3  }
0x96: {  	_ =	strace s3  }
0x97: {  	_ =	strace $0x8FFFFFFF  }
0x98: {  	s19 =	sld [smem:$0x3FDB];
	_ =	sdelay $0x1  }
0x99: {  	s4 =	simm.s32 $_scs_section_size  }
0x9a: {  	s5 =	simm.s32 $_size__tile_overlayer_lowered;
	s6 =	simm.s32 $_tile_overlayer_lowered  }
0x9b: {  	s22 =	simm.s32 $0x1BFF;
	s21 =	sshll.u32 s6, $0x1;
	s3 =	sadd.s32 s4, s19  }
0x9c: {  	s7 =	simm.s32 $0x0;
	s20 =	sshll.u32 s5, $0x1;
	s5 =	sadd.s32 s21, s3  }
0x9d: {  	[timem:s7], [sflag:s22] =	dma.local [hbm:s5], s20  }
0x9e: {  	_ =	swait.ge [sflag:s22], s20  }
0x9f: {  	s4 =	ssub.s32 $0x0, s20;
	[sflag:s22] =	ssyncset.done $0x0  }
0xa0: {  	[sflag:s22] =	ssyncadd.s32 s4;
	_ =	sdelay $0x1  }
0xa1: {  	s23 =	simm.s32 $0x1B8B  }
0xa2: {  	_ =	swait.ge [sflag:s23], $0x1  }
0xa3: {  	[sflag:s23] =	ssyncset.done $0x0  }
0xa4: {  	s25 =	simm.s32 $0x1B8E;
	s24 =	sld [smem:$0x3FFE];
	[sflag:s23] =	ssyncadd.s32 $0xFFFFFFFF  }
0xa5: {  	s26 =	simm.s32 $execute0_lowered;
	[smem:$0x3FD2] =	sst s25  }
0xa6: {  	s5 =	sshll.u32 s26, $0x1;
	_ =	strace $0x80000046;
	[dreg:$0x1] =	wrdreg $0xFFFFFFFF  }
0xa7: {  	s28 =	simm.s32 $_size_execute0_lowered;
	s3 =	sadd.s32 s3, s5;
	[dreg:$0x0] =	wrdreg $0x0  }
0xa8: {  	s5 =	sshll.u32 s28, $0x1;
	[dreg:$0x2] =	wrdreg s3  }
0xa9: {  	[dreg:$0x3] =	wrdreg s5  }
0xaa: {  	[dreg:$0x4] =	wrdreg $0xC0  }
0xab: {  	_ =	task [dreg:s7], $0x5FFFF  }
0xac: {  	[dreg:$0x1] =	wrdreg $0xFFFFFFFF  }
0xad: {  	[dreg:$0x0] =	wrdreg $0x60  }
0xae: {  	[dreg:$0x2] =	wrdreg s2  }
0xaf: {  	[dreg:$0x3] =	wrdreg s24  }
0xb0: {  	[dreg:$0x4] =	wrdreg $0x55F00  }
0xb1: {  	[dreg:$0x5] =	wrdreg $0x9  }
0xb2: {  	_ =	task.clear_ibuf [dreg:s7], $0x6FFFF;
	_ =	strace $0x90000046  }
0xb3: {  	s29 =	simm.s32 $0x9;
	_ =	strace $0x80000048  }
0xb4: {  	_ =	swait.ge [sflag:s29], $0x1  }
0xb5: {  	[sflag:s29] =	ssyncadd.s32 $0xFFFFFFFF  }
0xb6: {  	_ =	strace $0x90000048  }
0xb7: {  	_ =	sfence  }
0xb8: {  	s30 =	sld [smem:$0x0];
	_ =	sdelay $0x2  }
0xb9: {  	s31 =	sshll.u32 s1, $0xD;
	s1 =	sshrl.u32 s1, $0x2  }
0xba: {  	s3 =	sand.u32 $0x4000, s31;
	s1 =	sadd.s32 s1, s30  }
0xbb: {  	s0 =	sor.u32 s3, s0;
	s1 =	sshll.u32 s1, $0x11  }
0xbc: {  	s0 =	sor.u32 s1, s0  }
0xbd: {  	s0 =	sadd.s32 $0x8F2B, s0  }
0xbe: {  	[sflag:s0] =	ssyncadd.remote.s32 $0x1  }
0xbf: {  	_ =	sfence.sel $0xFFFF  }
0xc0: {  	[dreg:$0x0] =	wrdreg $0xFFFFFFFF;
	(pc) =	sbr.abs _section_cstart, $3  }
0xc1: {  	[dreg:$0x1] =	wrdreg $0xFFFFFFFF  }
0xc2: {  	_ =	task.clear_ibuf [dreg:s7], $0x2FFFF;
	_ =	strace $0x9FFFFFFF  }
0xc3: {  	(tm) =	ssettm $0x7FFFFFFF  }
tec
execute0_lowered:
.L_overlay_start_1:
0x0: {  	(tag) =	ssettag $0x1  }
0x1: {  	s4 =	rddreg [dreg:$0x0]  }
0x2: {  	s5 =	rddreg [dreg:$0x1]  }
0x3: {  	s2 =	rddreg [dreg:$0x2];
	s3 =	srdreg.scid  }
0x4: {  	s1 =	stileid.u32;
	s0 =	rddreg [dreg:$0x3];
	s11 =	simm.s32 $0x28A0  }
0x5: {  	s12 =	simm.s32 $0x68;
	s13 =	simm.s32 $0xD0;
	s14 =	simm.s32 $0x138  }
0x6: {  	s15 =	simm.s32 $0x1;
	s16 =	simm.s32 $0x2;
	s17 =	simm.s32 $0x3  }
0x7: {  	s18 =	simm.s32 $0x4;
	s21 =	simm.s32 $0x0;
	s6 =	sand.u32 $0x1, s3  }
0x8: {  	s7 =	smul.u32 $0x2710, s1;
	s3 =	simm.s32 $0x0;
	s9 =	sshll.u32 s1, $0x1  }
0x9: {  	s19 =	sshll.u32 s1, $0x6;
	s8 =	smul.u32 $0x27100, s6;
	[smem:$0x7FF] =	sst s3  }
0xa: {  	s9 =	sor.u32 s6, s9;
	s6 =	ssub.s32 $0x2, s6;
	s19 =	sor.u32 $0x1C05, s19  }
0xb: {  	s9 =	smul.u32 $0x514, s9;
	s10 =	sshrl.u32 s6, $0x1;
	s8 =	sadd.s32 s7, s8  }
0xc: {  	_ =	strace $0x80000047;
	s10 =	ssub.s32 s6, s10;
	s8 =	sshrl.u32 s8, $0x3  }
0xd: {  	s4 =	sadd.s32 s4, s9;
	s9 =	simm.s32 $0x2EE0;
	s8 =	sadd.s32 s8, s5  }
0xe: {  	s5 =	sadd.s32 s7, s2;
	s7 =	smax.u32 s10, $0x1;
	s10 =	simm.s32 $0x64  }
0xf: {  	v0 =	vimm.f32 $1.000000000e+00;
	v1 =	vimm.f32 $0.0e+00;
	s6 =	sadd.s32 $0x1200, s8;
	s8 =	simm.s32 $0x5;
	s20 =	sshrl.u32 s5, $0x3  }
.LBB2_1:
0x10: {  	[tilespmem:s3], [sflag:$0x5] =	stream.linear.gather [hbm4b:s4+s3], $0x28A0, $0x38;
	[tilespmem:$0x7D00] =	vst v63  }
0x11: {  	_ =	swait.ge [sflag:s8], $0x28A0  }
0x12: {  	[sflag:s8] =	ssyncset.done $0x0  }
0x13: {  	s22 =	simm.s32 $0x0;
	[sflag:s8] =	ssyncadd.s32 $0xFFFFD760  }
.LBB2_2:
0x14: {  	p0 =	sne.s32 s22, $0x18C0  }
.Ltmp0:
0x15: {  	_ = 	snop;
	(pc) =	sbr.rel @p0 .LBB2_2-.Ltmp0, $3  }
0x16: {  	_ =	sdelay $0x1  }
0x17: {  	s23 =	sshra.s32 s22, $0x2  }
0x18: {  	s22 =	sadd.s32 $0x40, s22;
	[tilespmem:s23+$0x28A0] =	vst v0  }
0x19: {  	s22 =	simm.s32 $0x40;
	s23 =	simm.s32 $0x0  }
.LBB2_4:
0x1a: {  	p0 =	sne.s32 s22, $0x9C00;
	[tilespmem:s23+$0x2EE0] =	vst v1;
	s23 =	smov.u32 s22;
	s22 =	sadd.s32 $0x40, s22  }
.Ltmp1:
0x1b: {  	(pc) =	sbr.rel @p0 .LBB2_4-.Ltmp1, $2  }
0x1c: {  	_ =	sdelay $0x2  }
0x1d: {  	s23 =	sshra.s32 s23, $0x2  }
0x1e: {  	[tilespmem:s23+$0x2EE0] =	vst v1  }
0x1f: {  	[spmem:s5] =	stream.linear.scatter [tilespmem:s9], [sflag:$0x5], $0x2710, $0x38;
	[tilespmem:$0x7D00] =	vst v63  }
0x20: {  	_ =	swait.ge [sflag:s8], $0x2710  }
0x21: {  	[sflag:s8] =	ssyncset.done $0x0  }
0x22: {  	[sflag:s8] =	ssyncadd.s32 $0xFFFFD8F0  }
0x23: {  	[bflag:$0x0] =	sbarrier.arrive $0xFFFF  }
0x24: {  	[spmem:s2] =	stream.indirect.scatter.add.f32 [tilespmem:s11], [sflag:$0x1], $0x10, s3, s10, $0xb8;
	[tilespmem:$0x7D00] =	vst v63  }
0x25: {  	_ = 	snop  }
0x26: {  	[spmem:s2] =	stream.indirect.scatter.add.f32 [tilespmem:s11], [sflag:$0x2], $0x10, s12, s10, $0xb8;
	[tilespmem:$0x7D00] =	vst v63  }
0x27: {  	_ = 	snop  }
0x28: {  	[spmem:s2] =	stream.indirect.scatter.add.f32 [tilespmem:s11], [sflag:$0x3], $0x10, s13, s10, $0xb8;
	[tilespmem:$0x7D00] =	vst v63  }
0x29: {  	_ = 	snop  }
0x2a: {  	[spmem:s2] =	stream.indirect.scatter.add.f32 [tilespmem:s11], [sflag:$0x4], $0x10, s14, s10, $0xb8;
	[tilespmem:$0x7D00] =	vst v63  }
0x2b: {  	_ =	swait.ge [sflag:s15], $0x640  }
0x2c: {  	[sflag:s15] =	ssyncset.done $0x0  }
0x2d: {  	s22 =	simm.s32 $0x1A0;
	[sflag:s15] =	ssyncadd.s32 $0xFFFFF9C0  }
0x2e: {  	[spmem:s2] =	stream.indirect.scatter.add.f32 [tilespmem:s11], [sflag:$0x1], $0x10, s22, s10, $0xb8;
	[tilespmem:$0x7D00] =	vst v63  }
0x2f: {  	_ =	swait.ge [sflag:s16], $0x640  }
0x30: {  	[sflag:s16] =	ssyncset.done $0x0  }
0x31: {  	s30 =	simm.s32 $0x208;
	[sflag:s16] =	ssyncadd.s32 $0xFFFFF9C0  }
0x32: {  	[spmem:s2] =	stream.indirect.scatter.add.f32 [tilespmem:s11], [sflag:$0x2], $0x10, s30, s10, $0xb8;
	[tilespmem:$0x7D00] =	vst v63  }
0x33: {  	_ =	swait.ge [sflag:s17], $0x640  }
0x34: {  	[sflag:s17] =	ssyncset.done $0x0  }
0x35: {  	s31 =	simm.s32 $0x270;
	[sflag:s17] =	ssyncadd.s32 $0xFFFFF9C0  }
0x36: {  	[spmem:s2] =	stream.indirect.scatter.add.f32 [tilespmem:s11], [sflag:$0x3], $0x10, s31, s10, $0xb8;
	[tilespmem:$0x7D00] =	vst v63  }
0x37: {  	_ =	swait.ge [sflag:s18], $0x640  }
0x38: {  	[sflag:s18] =	ssyncset.done $0x0  }
0x39: {  	s23 =	simm.s32 $0x2D8;
	s22 =	simm.s32 $0xFFFF6A80;
	[sflag:s18] =	ssyncadd.s32 $0xFFFFF9C0  }
.LBB2_6:
0x3a: {  	[spmem:s2] =	stream.indirect.scatter.add.f32 [tilespmem:s11], [sflag:$0x4], $0x10, s23, s10, $0xb8;
	[tilespmem:$0x7D00] =	vst v63  }
0x3b: {  	s23 =	smov.u32 s22  }
0x3c: {  	p0 =	sne.s32 s22, $0xFFFFF980;
	s22 =	sadd.s32 $0x680, s22;
	_ =	swait.ge [sflag:s15], $0x640  }
0x3d: {  	s23 =	sshra.s32 s23, $0x2;
	[sflag:s15] =	ssyncset.done $0x0  }
0x3e: {  	s24 =	sadd.s32 $0x28A0, s23;
	[sflag:s15] =	ssyncadd.s32 $0xFFFFF9C0  }
0x3f: {  	[spmem:s2] =	stream.indirect.scatter.add.f32 [tilespmem:s11], [sflag:$0x1], $0x10, s24, s10, $0xb8;
	[tilespmem:$0x7D00] =	vst v63  }
0x40: {  	_ =	swait.ge [sflag:s16], $0x640  }
0x41: {  	[sflag:s16] =	ssyncset.done $0x0  }
0x42: {  	s24 =	sadd.s32 $0x2908, s23;
	[sflag:s16] =	ssyncadd.s32 $0xFFFFF9C0  }
0x43: {  	[spmem:s2] =	stream.indirect.scatter.add.f32 [tilespmem:s11], [sflag:$0x2], $0x10, s24, s10, $0xb8;
	[tilespmem:$0x7D00] =	vst v63  }
0x44: {  	_ =	swait.ge [sflag:s17], $0x640  }
0x45: {  	[sflag:s17] =	ssyncset.done $0x0  }
.Ltmp2:
0x46: {  	s24 =	sadd.s32 $0x2970, s23;
	[sflag:s17] =	ssyncadd.s32 $0xFFFFF9C0;
	(pc) =	sbr.rel @p0 .LBB2_6-.Ltmp2, $4  }
0x47: {  	[spmem:s2] =	stream.indirect.scatter.add.f32 [tilespmem:s11], [sflag:$0x3], $0x10, s24, s10, $0xb8;
	[tilespmem:$0x7D00] =	vst v63  }
0x48: {  	_ =	swait.ge [sflag:s18], $0x640  }
0x49: {  	[sflag:s18] =	ssyncset.done $0x0  }
0x4a: {  	s23 =	sadd.s32 $0x29D8, s23;
	[sflag:s18] =	ssyncadd.s32 $0xFFFFF9C0  }
0x4b: {  	[spmem:s2] =	stream.indirect.scatter.add.f32 [tilespmem:s11], [sflag:$0x4], $0x10, s23, s10, $0xb8;
	[tilespmem:$0x7D00] =	vst v63  }
0x4c: {  	_ =	swait.ge [sflag:s15], $0x640  }
0x4d: {  	[sflag:s15] =	ssyncset.done $0x0  }
0x4e: {  	[sflag:s15] =	ssyncadd.s32 $0xFFFFF9C0  }
0x4f: {  	_ =	swait.ge [sflag:s16], $0x640  }
0x50: {  	[sflag:s16] =	ssyncset.done $0x0  }
0x51: {  	[sflag:s16] =	ssyncadd.s32 $0xFFFFF9C0  }
0x52: {  	_ =	swait.ge [sflag:s17], $0x640  }
0x53: {  	[sflag:s17] =	ssyncset.done $0x0  }
0x54: {  	[sflag:s17] =	ssyncadd.s32 $0xFFFFF9C0  }
0x55: {  	_ =	swait.ge [sflag:s18], $0x640  }
0x56: {  	s21 =	sadd.s32 $0x1, s21;
	[sflag:s18] =	ssyncset.done $0x0  }
0x57: {  	p0 =	sne.s32 s21, s7;
	[sflag:s18] =	ssyncadd.s32 $0xFFFFF9C0  }
.Ltmp3:
0x58: {  	[bflag:$0x0] =	sbarrier.arrive $0xFFFF;
	(pc) =	sbr.rel @p0 .LBB2_1-.Ltmp3, $4  }
0x59: {  	[hbm:s6], [sflag:s19] =	dma.local [spmem:s20], $0x4E2  }
0x5a: {  	_ =	swait.ge [sflag:s8], $0x4E2  }
0x5b: {  	[sflag:s8] =	ssyncset.done $0x0  }
0x5c: {  	[sflag:s8] =	ssyncadd.s32 $0xFFFFFB1E  }
0x5d: {  	_ =	sfence.sel $0x180000  }
0x5e: {  	[bflag:$0x0] =	sbarrier.arrive $0xFFFF  }
0x5f: {  	p0 =	sne.s32 s1, $0x0;
	_ =	strace $0x90000047  }
0x60: {  	s0 =	sadd.s32 @!p0 $0x100000, s0;
	[bflag:$0x2] =	sbarrier.arrive $0xFFFF  }
0x61: {  	[sflag:s0] =	ssyncadd.tile.s32 @!p0 $0x1;
	_ =	shalt  }
.Lfunc_end2:
_tile_overlayer_lowered:
.L_overlay_start_2:
0x62: {  	(tag) =	ssettag $0x2  }
0x63: {  	s0 =	rddreg [dreg:$0x0];
	s2 =	stileid.u32  }
0x64: {  	s1 =	rddreg [dreg:$0x1];
	p0 =	sne.s32 s2, $0x0  }
0x65: {  	s3 =	rddreg [dreg:$0x2];
	[bflag:$0x3] =	sbarrier.arrive $0xFFFF;
	s2 =	simm.s32 @!p0 $0x1C05  }
0x66: {  	[timem:s3], [sflag:s2] =	dma.local @!p0 [hbm:s0], s1  }
0x67: {  	s0 =	simm.s32 @!p0 $0x5  }
0x68: {  	_ =	swait.ge @!p0 [sflag:s0], s1  }
0x69: {  	s1 =	ssub.s32 @!p0 $0x0, s1;
	[sflag:s0] =	ssyncset.done @!p0 $0x0  }
0x6a: {  	[sflag:s0] =	ssyncadd.s32 @!p0 s1  }
0x6b: {  	[bflag:$0x3] =	sbarrier.arrive $0xFFFF  }
0x6c: {  	_ =	shalt  }

// kernel: kernel.9.cloned.1.call-start
scs
__scs_entry_jumppad:
0x0: {  	(pc) =	sbr.rel $0x88, $3  }
0x1: {  	(tag) =	ssettag $0x0;
	lr =	simm.s32 $0x1  }
0x2: {  	[smem:$0x3F9B] =	sst lr;
	_ =	strace $0xD0000000  }
0x3: {  	_ = 	snop  }
0x4: {  	_ = 	snop  }
0x5: {  	_ = 	snop  }
0x6: {  	_ = 	snop  }
0x7: {  	_ = 	snop  }
__scs_overlays_trampoline_lowered:
0x8: {  	[smem:$0x3FAA] =	sst s0  }
0x9: {  	[smem:$0x3FAB] =	sst s1  }
0xa: {  	[smem:$0x3FAC] =	sst s2  }
0xb: {  	[smem:$0x3FAD] =	sst s3  }
0xc: {  	[smem:$0x3FAE] =	sst s4  }
0xd: {  	[smem:$0x3FAF] =	sst s5  }
0xe: {  	[smem:$0x3FB0] =	sst s6  }
0xf: {  	[smem:$0x3FB1] =	sst s7  }
0x10: {  	[smem:$0x3FB2] =	sst s8  }
0x11: {  	[smem:$0x3FB3] =	sst s9;
	s0 =	simm.s32 @!p0 $0x0  }
0x12: {  	s1 =	sld [smem:$0x3F99];
	s0 =	simm.s32 @p0 $0x1  }
0x13: {  	[smem:$0x3FB4] =	sst s0;
	s0 =	simm.s32 @!p1 $0x0  }
0x14: {  	s2 =	sld [smem:$0x3F98];
	s0 =	simm.s32 @p1 $0x1  }
0x15: {  	[smem:$0x3FB5] =	sst s0;
	s0 =	simm.s32 @!p2 $0x0  }
0x16: {  	s3 =	sld [smem:$0x3FDB];
	s0 =	simm.s32 @p2 $0x1  }
0x17: {  	s4 =	simm.s32 $0x1BF5;
	[smem:$0x3FB7] =	sst s0  }
0x18: {  	s0 =	sld [smem:$0x3F9A];
	_ =	swait.ge [sflag:s4], $0x0  }
0x19: {  	s7 =	sld [smem:$0x3F9B]  }
0x1a: {  	s8 =	sadd.s32 $0xFFFFE003, lr  }
0x1b: {  	s9 =	sadd.s32 $0xFFFFFEF7, lr;
	s5 =	simm.s32 $0xFFFFFFFF;
	p2 =	slt.u32 s8, $0xFFFFF086  }
0x1c: {  	p1 =	slt.u32 s9, $0xF7A;
	s5 =	simm.s32 @!p2 $0x0  }
0x1d: {  	s5 =	simm.s32 @p1 $0x1;
	p0 =	seq.s32 s7, s2  }
0x1e: {  	s7 =	smul.u32 @!p0 $0xF7A, s2;
	p2 =	seq.s32 @!p0 s5, $0x0  }
0x1f: {  	s9 =	smul.u32 $0xF7A, s1;
	s8 =	simm.s32 @!p0 $0x1BF5;
	p2 =	por !p2, p0  }
0x20: {  	[sflag:s8] =	ssyncset.s32 @!p0 $0xFFFFF086;
	s6 =	sadd.s32 @!p0 s3, s7;
	s7 =	simm.s32 @!p0 $0x108  }
0x21: {  	s3 =	sadd.s32 s3, s9;
	s6 =	sadd.s32 @!p0 $0x88, s6;
	s7 =	simm.s32 @p2 $0x1082  }
0x22: {  	[simem:s7], [sflag:s8] =	dma.local @!p0 [hbm:s6], $0xF7A  }
0x23: {  	s9 =	sor.u32 $0xD0000000, s2;
	s6 =	simm.s32 $0x108;
	_ =	swait.ge @!p0 [sflag:s8], $0x0  }
0x24: {  	s3 =	sadd.s32 $0x88, s3;
	s6 =	simm.s32 @!p1 $0x1082;
	[sflag:s4] =	ssyncset.s32 $0xFFFFF086  }
0x25: {  	[simem:s6], [sflag:s4] =	dma.local [hbm:s3], $0xF7A  }
0x26: {  	[smem:$0x3F9B] =	sst s1;
	(tag) =	ssettag s2;
	_ =	strace s9  }
0x27: {  	s1 =	sld [smem:$0x3FAB]  }
0x28: {  	s2 =	sld [smem:$0x3FAC]  }
0x29: {  	s4 =	sld [smem:$0x3FAE]  }
0x2a: {  	p0 =	seq.s32 s5, $0x0;
	s5 =	sld [smem:$0x3FAF]  }
0x2b: {  	s6 =	sld [smem:$0x3FB0]  }
0x2c: {  	s7 =	sld [smem:$0x3FB1]  }
0x2d: {  	s3 =	simm.s32 $0x108;
	s8 =	sld [smem:$0x3FB2]  }
0x2e: {  	s3 =	simm.s32 @!p0 $0x1082;
	s9 =	sld [smem:$0x3FB3]  }
0x2f: {  	lr =	sadd.s32 s0, s3;
	s0 =	sld [smem:$0x3FAA]  }
0x30: {  	s3 =	sld [smem:$0x3FAD]  }
0x31: {  	[smem:$0x3FB6] =	sst s10  }
0x32: {  	s10 =	sld [smem:$0x3FB4];
	_ =	sdelay $0x3  }
0x33: {  	p0 =	seq.s32 s10, $0x1;
	s10 =	sld [smem:$0x3FB6];
	_ =	sdelay $0x3  }
0x34: {  	[smem:$0x3FB6] =	sst s10  }
0x35: {  	s10 =	sld [smem:$0x3FB5];
	_ =	sdelay $0x3  }
0x36: {  	p1 =	seq.s32 s10, $0x1;
	s10 =	sld [smem:$0x3FB6];
	_ =	sdelay $0x3  }
0x37: {  	[smem:$0x3FB6] =	sst s10  }
0x38: {  	s10 =	sld [smem:$0x3FB7]  }
0x39: {  	_ = 	snop;
	(pc) =	sbr.ind lr, $3  }
0x3a: {  	_ = 	snop  }
0x3b: {  	_ = 	snop  }
0x3c: {  	p2 =	seq.s32 s10, $0x1;
	s10 =	sld [smem:$0x3FB6]  }
0x3d: {  	_ =	shalt  }
0x3e: {  	_ =	shalt  }
0x3f: {  	_ =	shalt  }
0x40: {  	_ =	shalt  }
0x41: {  	_ =	shalt  }
0x42: {  	_ =	shalt  }
0x43: {  	_ =	shalt  }
0x44: {  	_ =	shalt  }
0x45: {  	_ =	shalt  }
0x46: {  	_ =	shalt  }
0x47: {  	_ =	shalt  }
0x48: {  	_ =	shalt  }
0x49: {  	_ =	shalt  }
0x4a: {  	_ =	shalt  }
0x4b: {  	_ =	shalt  }
0x4c: {  	_ =	shalt  }
0x4d: {  	_ =	shalt  }
0x4e: {  	_ =	shalt  }
0x4f: {  	_ =	shalt  }
0x50: {  	_ =	shalt  }
0x51: {  	_ =	shalt  }
0x52: {  	_ =	shalt  }
0x53: {  	_ =	shalt  }
0x54: {  	_ =	shalt  }
0x55: {  	_ =	shalt  }
0x56: {  	_ =	shalt  }
0x57: {  	_ =	shalt  }
0x58: {  	_ =	shalt  }
0x59: {  	_ =	shalt  }
0x5a: {  	_ =	shalt  }
0x5b: {  	_ =	shalt  }
0x5c: {  	_ =	shalt  }
0x5d: {  	_ =	shalt  }
0x5e: {  	_ =	shalt  }
0x5f: {  	_ =	shalt  }
0x60: {  	_ =	shalt  }
0x61: {  	_ =	shalt  }
0x62: {  	_ =	shalt  }
0x63: {  	_ =	shalt  }
0x64: {  	_ =	shalt  }
0x65: {  	_ =	shalt  }
0x66: {  	_ =	shalt  }
0x67: {  	_ =	shalt  }
0x68: {  	_ =	shalt  }
0x69: {  	_ =	shalt  }
0x6a: {  	_ =	shalt  }
0x6b: {  	_ =	shalt  }
0x6c: {  	_ =	shalt  }
0x6d: {  	_ =	shalt  }
0x6e: {  	_ =	shalt  }
0x6f: {  	_ =	shalt  }
0x70: {  	_ =	shalt  }
0x71: {  	_ =	shalt  }
0x72: {  	_ =	shalt  }
0x73: {  	_ =	shalt  }
0x74: {  	_ =	shalt  }
0x75: {  	_ =	shalt  }
0x76: {  	_ =	shalt  }
0x77: {  	_ =	shalt  }
0x78: {  	_ =	shalt  }
0x79: {  	_ =	shalt  }
0x7a: {  	_ =	shalt  }
0x7b: {  	_ =	shalt  }
0x7c: {  	_ =	shalt  }
0x7d: {  	_ =	shalt  }
0x7e: {  	_ =	shalt  }
0x7f: {  	_ =	shalt  }
0x80: {  	_ =	shalt  }
0x81: {  	_ =	shalt  }
0x82: {  	_ =	shalt  }
0x83: {  	_ =	shalt  }
0x84: {  	_ =	shalt  }
0x85: {  	_ =	shalt  }
0x86: {  	_ =	shalt  }
0x87: {  	_ =	shalt  }
.Lfunc_end0:
.L_simem_size_0:
called_computation.1_lowered:
.L_overlay_start_0:
0x88: {  	s2 =	sld [smem:$0x3FD9]  }
0x89: {  	s3 =	sld [smem:$0x3FFE];
	_ =	sdelay $0x1  }
0x8a: {  	s1 =	srdreg.scid  }
0x8b: {  	s0 =	sand.u32 $0x1, s1  }
0x8c: {  	s17 =	sshll.u32 s0, $0xA;
	s2 =	sadd.s32 s3, s2  }
0x8d: {  	s2 =	sadd.s32 s2, s17  }
0x8e: {  	[smem:$0x3FC2] =	sst s2  }
0x8f: {  	_ = 	snop  }
0x90: {  	s2 =	sld [smem:$0x3FD0];
	(tm) =	ssettm $0x1  }
0x91: {  	s18 =	sld [smem:$0x3FFB];
	_ =	sdelay $0x3  }
0x92: {  	_ =	strace s18  }
0x93: {  	s3 =	sld [smem:$0x3FFC];
	_ =	sdelay $0x3  }
0x94: {  	_ =	strace s3  }
0x95: {  	s3 =	sld [smem:$0x3FFD];
	_ =	sdelay $0x3  }
0x96: {  	_ =	strace s3  }
0x97: {  	_ =	strace $0x8FFFFFFF  }
0x98: {  	s19 =	sld [smem:$0x3FDB];
	_ =	sdelay $0x1  }
0x99: {  	s4 =	simm.s32 $_scs_section_size  }
0x9a: {  	s5 =	simm.s32 $_size__tile_overlayer_lowered;
	s6 =	simm.s32 $_tile_overlayer_lowered  }
0x9b: {  	s22 =	simm.s32 $0x1BFF;
	s21 =	sshll.u32 s6, $0x1;
	s3 =	sadd.s32 s4, s19  }
0x9c: {  	s7 =	simm.s32 $0x0;
	s20 =	sshll.u32 s5, $0x1;
	s5 =	sadd.s32 s21, s3  }
0x9d: {  	[timem:s7], [sflag:s22] =	dma.local [hbm:s5], s20  }
0x9e: {  	_ =	swait.ge [sflag:s22], s20  }
0x9f: {  	s4 =	ssub.s32 $0x0, s20;
	[sflag:s22] =	ssyncset.done $0x0  }
0xa0: {  	[sflag:s22] =	ssyncadd.s32 s4;
	_ =	sdelay $0x1  }
0xa1: {  	s23 =	simm.s32 $0x1B8B  }
0xa2: {  	_ =	swait.ge [sflag:s23], $0x1  }
0xa3: {  	[sflag:s23] =	ssyncset.done $0x0  }
0xa4: {  	s25 =	simm.s32 $0x1B8E;
	s24 =	sld [smem:$0x3FFE];
	[sflag:s23] =	ssyncadd.s32 $0xFFFFFFFF  }
0xa5: {  	s26 =	simm.s32 $execute0_lowered;
	[smem:$0x3FD2] =	sst s25  }
0xa6: {  	s5 =	sshll.u32 s26, $0x1;
	_ =	strace $0x80000049;
	[dreg:$0x1] =	wrdreg $0xFFFFFFFF  }
0xa7: {  	s28 =	simm.s32 $_size_execute0_lowered;
	s3 =	sadd.s32 s3, s5;
	[dreg:$0x0] =	wrdreg $0x0  }
0xa8: {  	s5 =	sshll.u32 s28, $0x1;
	[dreg:$0x2] =	wrdreg s3  }
0xa9: {  	[dreg:$0x3] =	wrdreg s5  }
0xaa: {  	[dreg:$0x4] =	wrdreg $0xC0  }
0xab: {  	_ =	task [dreg:s7], $0x5FFFF  }
0xac: {  	[dreg:$0x1] =	wrdreg $0xFFFFFFFF  }
0xad: {  	[dreg:$0x0] =	wrdreg $0x60  }
0xae: {  	[dreg:$0x2] =	wrdreg s24  }
0xaf: {  	[dreg:$0x3] =	wrdreg s2  }
0xb0: {  	[dreg:$0x4] =	wrdreg $0xCF000  }
0xb1: {  	[dreg:$0x5] =	wrdreg $0x9  }
0xb2: {  	_ =	task.clear_ibuf [dreg:s7], $0x6FFFF;
	_ =	strace $0x90000049  }
0xb3: {  	s29 =	simm.s32 $0x9;
	_ =	strace $0x8000004B  }
0xb4: {  	_ =	swait.ge [sflag:s29], $0x1  }
0xb5: {  	[sflag:s29] =	ssyncadd.s32 $0xFFFFFFFF  }
0xb6: {  	_ =	strace $0x9000004B  }
0xb7: {  	_ =	sfence  }
0xb8: {  	s30 =	sld [smem:$0x0];
	_ =	sdelay $0x2  }
0xb9: {  	s31 =	sshll.u32 s1, $0xD;
	s1 =	sshrl.u32 s1, $0x2  }
0xba: {  	s3 =	sand.u32 $0x4000, s31;
	s1 =	sadd.s32 s1, s30  }
0xbb: {  	s0 =	sor.u32 s3, s0;
	s1 =	sshll.u32 s1, $0x11  }
0xbc: {  	s0 =	sor.u32 s1, s0  }
0xbd: {  	s0 =	sadd.s32 $0x8F2B, s0  }
0xbe: {  	[sflag:s0] =	ssyncadd.remote.s32 $0x1  }
0xbf: {  	_ =	sfence.sel $0xFFFF  }
0xc0: {  	[dreg:$0x0] =	wrdreg $0xFFFFFFFF;
	(pc) =	sbr.abs _section_cstart, $3  }
0xc1: {  	[dreg:$0x1] =	wrdreg $0xFFFFFFFF  }
0xc2: {  	_ =	task.clear_ibuf [dreg:s7], $0x2FFFF;
	_ =	strace $0x9FFFFFFF  }
0xc3: {  	(tm) =	ssettm $0x7FFFFFFF  }
tec
execute0_lowered:
.L_overlay_start_1:
0x0: {  	(tag) =	ssettag $0x1  }
0x1: {  	s0 =	srdreg.scid  }
0x2: {  	s4 =	stileid.u32;
	s1 =	rddreg [dreg:$0x0]  }
0x3: {  	s9 =	rddreg [dreg:$0x1];
	s24 =	simm.s32 $0x0;
	s14 =	simm.s32 $0x9  }
0x4: {  	s15 =	simm.s32 $0x2780;
	s16 =	simm.s32 $0x4F00;
	s17 =	simm.s32 $0x80  }
0x5: {  	s18 =	simm.s32 $0x6F00;
	s19 =	simm.s32 $0x1;
	s21 =	simm.s32 $0x8F00  }
0x6: {  	s22 =	simm.s32 $0x2;
	s28 =	simm.s32 $0x3;
	s29 =	simm.s32 $0x5  }
0x7: {  	s30 =	simm.s32 $0x4;
	s31 =	simm.s32 $0x6;
	s0 =	sand.u32 $0x1, s0  }
0x8: {  	s2 =	sshll.u32 s4, $0x1;
	s6 =	smul.u32 $0x27100, s4;
	[smem:$0x7FF] =	sst s24  }
0x9: {  	s10 =	smul.u32 $0x13880, s4;
	s4 =	sadd.s32 $0x1EC00, s1;
	s24 =	simm.s32 $0x0  }
0xa: {  	s3 =	sor.u32 s0, s2;
	s7 =	ssub.s32 $0x2, s0;
	s0 =	smul.u32 $0x138800, s0  }
0xb: {  	s2 =	rddreg [dreg:$0x2];
	_ =	strace $0x8000004A;
	s5 =	smul.u32 $0x4F0, s3  }
0xc: {  	s8 =	sshrl.u32 s7, $0x1;
	s25 =	sshrl.u32 s6, $0x2;
	s26 =	sshrl.u32 s10, $0x1  }
0xd: {  	s11 =	ssub.s32 s7, s8;
	s0 =	sadd.s32 s10, s0;
	s7 =	sadd.s32 s25, s2  }
0xe: {  	s1 =	sadd.s32 s5, s1;
	s0 =	sshrl.u32 s0, $0x4;
	s8 =	sadd.s32 $0x8000, s7  }
0xf: {  	s10 =	smax.u32 s11, $0x1;
	s11 =	sadd.s32 $0x2000, s7;
	s12 =	sadd.s32 $0x4000, s7  }
0x10: {  	s13 =	sadd.s32 $0x6000, s7;
	s5 =	sadd.s32 $0xB000, s1;
	s6 =	sadd.s32 $0x14E00, s1  }
0x11: {  	s9 =	sadd.s32 s9, s0;
	s0 =	sadd.s32 s26, s2;
	s26 =	simm.s32 $0xAF00  }
0x12: {  	v0 =	vimm.bf16 $0.0e+00;
	s1 =	simm.s32 $0x7;
	s25 =	sshrl.u32 s0, $0x3;
	s0 =	simm.s32 $0x8  }
.LBB2_1:
0x13: {  	s3 =	simm.s32 $0x0  }
0x14: {  	[tilespmem:s3], [sflag:$0x9] =	stream.linear.gather [hbm4b:s5+s3], $0x2780, $0x38;
	[tilespmem:$0x16D40] =	vst v63  }
0x15: {  	_ =	swait.ge [sflag:s14], $0x2780  }
0x16: {  	[sflag:s14] =	ssyncset.done $0x0  }
0x17: {  	[sflag:s14] =	ssyncadd.s32 $0xFFFFD880  }
0x18: {  	[tilespmem:s15], [sflag:$0x9] =	stream.linear.gather [hbm4b:s6+s3], $0x2780, $0x38;
	[tilespmem:$0x16D40] =	vst v63  }
0x19: {  	_ =	swait.ge [sflag:s14], $0x2780  }
0x1a: {  	[sflag:s14] =	ssyncset.done $0x0  }
0x1b: {  	s23 =	simm.s32 $0x100;
	s20 =	simm.s32 $0x0;
	[sflag:s14] =	ssyncadd.s32 $0xFFFFD880  }
.LBB2_2:
0x1c: {  	p0 =	sne.s32 s23, $0x7F00;
	[tilespmem:s20+$0x4F30] =	vst v0;
	s3 =	smov.u32 s23;
	s23 =	sadd.s32 $0x100, s23  }
.Ltmp0:
0x1d: {  	[tilespmem:s20+$0x4F20] =	vst v0;
	(pc) =	sbr.rel @p0 .LBB2_2-.Ltmp0, $3  }
0x1e: {  	[tilespmem:s20+$0x4F00] =	vst v0  }
0x1f: {  	[tilespmem:s20+$0x4F10] =	vst v0;
	_ =	sdelay $0x1  }
0x20: {  	s20 =	sshra.s32 s3, $0x2  }
0x21: {  	[tilespmem:s20+$0x4F30] =	vst v0  }
0x22: {  	[tilespmem:s20+$0x4F20] =	vst v0  }
0x23: {  	[tilespmem:s20+$0x4F00] =	vst v0  }
0x24: {  	[tilespmem:s20+$0x4F10] =	vst v0  }
0x25: {  	[spmem:s7] =	stream.linear.scatter [tilespmem:s16], [sflag:$0x9], $0x2000, $0x38;
	[tilespmem:$0x16D40] =	vst v63  }
0x26: {  	_ =	swait.ge [sflag:s14], $0x2000  }
0x27: {  	[sflag:s14] =	ssyncset.done $0x0  }
0x28: {  	[sflag:s14] =	ssyncadd.s32 $0xFFFFE000  }
0x29: {  	[spmem:s11] =	stream.linear.scatter [tilespmem:s16], [sflag:$0x9], $0x2000, $0x38;
	[tilespmem:$0x16D40] =	vst v63  }
0x2a: {  	_ =	swait.ge [sflag:s14], $0x2000  }
0x2b: {  	[sflag:s14] =	ssyncset.done $0x0  }
0x2c: {  	[sflag:s14] =	ssyncadd.s32 $0xFFFFE000  }
0x2d: {  	[spmem:s12] =	stream.linear.scatter [tilespmem:s16], [sflag:$0x9], $0x2000, $0x38;
	[tilespmem:$0x16D40] =	vst v63  }
0x2e: {  	_ =	swait.ge [sflag:s14], $0x2000  }
0x2f: {  	[sflag:s14] =	ssyncset.done $0x0  }
0x30: {  	[sflag:s14] =	ssyncadd.s32 $0xFFFFE000  }
0x31: {  	[spmem:s13] =	stream.linear.scatter [tilespmem:s16], [sflag:$0x9], $0x2000, $0x38;
	[tilespmem:$0x16D40] =	vst v63  }
0x32: {  	_ =	swait.ge [sflag:s14], $0x2000  }
0x33: {  	[sflag:s14] =	ssyncset.done $0x0  }
0x34: {  	[sflag:s14] =	ssyncadd.s32 $0xFFFFE000  }
0x35: {  	[spmem:s8] =	stream.linear.scatter [tilespmem:s16], [sflag:$0x9], $0x1C40, $0x38;
	[tilespmem:$0x16D40] =	vst v63  }
0x36: {  	_ =	swait.ge [sflag:s14], $0x1C40  }
0x37: {  	[sflag:s14] =	ssyncset.done $0x0  }
0x38: {  	[sflag:s14] =	ssyncadd.s32 $0xFFFFE3C0  }
0x39: {  	s3 =	simm.s32 $0x0;
	[bflag:$0x0] =	sbarrier.arrive $0xFFFF  }
0x3a: {  	[tilespmem:s16], [sflag:$0x1] =	stream.indirect.gather [hbm4b:s4+s17], $0x40, s3, s17, $0xb8;
	[tilespmem:$0x16D40] =	vst v63  }
0x3b: {  	_ = 	snop  }
0x3c: {  	[tilespmem:s18], [sflag:$0x2] =	stream.indirect.gather [hbm4b:s4+s17], $0x40, s17, s17, $0xb8;
	[tilespmem:$0x16D40] =	vst v63  }
0x3d: {  	_ =	swait.ge [sflag:s19], $0x2000  }
0x3e: {  	[sflag:s19] =	ssyncset.done $0x0  }
0x3f: {  	[sflag:s19] =	ssyncadd.s32 $0xFFFFE000  }
0x40: {  	[spmem:s2] =	stream.indirect.scatter.add.bf16 [tilespmem:s16], [sflag:$0x5], $0x40, s15, s17, $0xb8;
	[tilespmem:$0x16D40] =	vst v63  }
0x41: {  	s20 =	simm.s32 $0x100  }
0x42: {  	[tilespmem:s21], [sflag:$0x3] =	stream.indirect.gather [hbm4b:s4+s17], $0x40, s20, s17, $0xb8;
	[tilespmem:$0x16D40] =	vst v63  }
0x43: {  	_ =	swait.ge [sflag:s22], $0x2000  }
0x44: {  	[sflag:s22] =	ssyncset.done $0x0  }
0x45: {  	s23 =	simm.s32 $0x2800;
	[sflag:s22] =	ssyncadd.s32 $0xFFFFE000  }
0x46: {  	[spmem:s2] =	stream.indirect.scatter.add.bf16 [tilespmem:s18], [sflag:$0x6], $0x40, s23, s17, $0xb8;
	[tilespmem:$0x16D40] =	vst v63  }
0x47: {  	s20 =	simm.s32 $0x180  }
0x48: {  	[tilespmem:s26], [sflag:$0x4] =	stream.indirect.gather [hbm4b:s4+s17], $0x40, s20, s17, $0xb8;
	[tilespmem:$0x16D40] =	vst v63  }
0x49: {  	_ =	swait.ge [sflag:s28], $0x2000  }
0x4a: {  	[sflag:s28] =	ssyncset.done $0x0  }
0x4b: {  	s23 =	simm.s32 $0x2880;
	[sflag:s28] =	ssyncadd.s32 $0xFFFFE000  }
0x4c: {  	[spmem:s2] =	stream.indirect.scatter.add.bf16 [tilespmem:s21], [sflag:$0x7], $0x40, s23, s17, $0xb8;
	[tilespmem:$0x16D40] =	vst v63  }
0x4d: {  	_ =	swait.ge [sflag:s29], $0x2000  }
0x4e: {  	[sflag:s29] =	ssyncset.done $0x0  }
0x4f: {  	s20 =	simm.s32 $0x200;
	[sflag:s29] =	ssyncadd.s32 $0xFFFFE000  }
0x50: {  	[tilespmem:s16], [sflag:$0x1] =	stream.indirect.gather [hbm4b:s4+s17], $0x40, s20, s17, $0xb8;
	[tilespmem:$0x16D40] =	vst v63  }
0x51: {  	_ =	swait.ge [sflag:s30], $0x2000  }
0x52: {  	[sflag:s30] =	ssyncset.done $0x0  }
0x53: {  	s23 =	simm.s32 $0x2900;
	[sflag:s30] =	ssyncadd.s32 $0xFFFFE000  }
0x54: {  	[spmem:s2] =	stream.indirect.scatter.add.bf16 [tilespmem:s26], [sflag:$0x8], $0x40, s23, s17, $0xb8;
	[tilespmem:$0x16D40] =	vst v63  }
0x55: {  	_ =	swait.ge [sflag:s31], $0x2000  }
0x56: {  	[sflag:s31] =	ssyncset.done $0x0  }
0x57: {  	s20 =	simm.s32 $0x280;
	[sflag:s31] =	ssyncadd.s32 $0xFFFFE000  }
0x58: {  	[tilespmem:s18], [sflag:$0x2] =	stream.indirect.gather [hbm4b:s4+s17], $0x40, s20, s17, $0xb8;
	[tilespmem:$0x16D40] =	vst v63  }
0x59: {  	_ =	swait.ge [sflag:s19], $0x2000  }
0x5a: {  	[sflag:s19] =	ssyncset.done $0x0  }
0x5b: {  	s23 =	simm.s32 $0x2980;
	[sflag:s19] =	ssyncadd.s32 $0xFFFFE000  }
0x5c: {  	[spmem:s2] =	stream.indirect.scatter.add.bf16 [tilespmem:s16], [sflag:$0x5], $0x40, s23, s17, $0xb8;
	[tilespmem:$0x16D40] =	vst v63  }
0x5d: {  	_ =	swait.ge [sflag:s1], $0x2000  }
0x5e: {  	[sflag:s1] =	ssyncset.done $0x0  }
0x5f: {  	s20 =	simm.s32 $0x300;
	[sflag:s1] =	ssyncadd.s32 $0xFFFFE000  }
0x60: {  	[tilespmem:s21], [sflag:$0x3] =	stream.indirect.gather [hbm4b:s4+s17], $0x40, s20, s17, $0xb8;
	[tilespmem:$0x16D40] =	vst v63  }
0x61: {  	_ =	swait.ge [sflag:s22], $0x2000  }
0x62: {  	[sflag:s22] =	ssyncset.done $0x0  }
0x63: {  	s23 =	simm.s32 $0x2A00;
	[sflag:s22] =	ssyncadd.s32 $0xFFFFE000  }
0x64: {  	[spmem:s2] =	stream.indirect.scatter.add.bf16 [tilespmem:s18], [sflag:$0x6], $0x40, s23, s17, $0xb8;
	[tilespmem:$0x16D40] =	vst v63  }
0x65: {  	_ =	swait.ge [sflag:s0], $0x2000  }
0x66: {  	[sflag:s0] =	ssyncset.done $0x0  }
0x67: {  	s20 =	simm.s32 $0x800;
	s23 =	simm.s32 $0x380;
	[sflag:s0] =	ssyncadd.s32 $0xFFFFE000  }
.LBB2_4:
0x68: {  	[tilespmem:s26], [sflag:$0x4] =	stream.indirect.gather [hbm4b:s4+s17], $0x40, s23, s17, $0xb8;
	[tilespmem:$0x16D40] =	vst v63  }
0x69: {  	s3 =	smov.u32 s20  }
0x6a: {  	p0 =	sne.s32 s20, $0x8800;
	s20 =	sadd.s32 $0x800, s20;
	_ =	swait.ge [sflag:s28], $0x2000  }
0x6b: {  	s23 =	sshra.s32 s3, $0x2;
	[sflag:s28] =	ssyncset.done $0x0  }
0x6c: {  	s3 =	sadd.s32 $0x2880, s23;
	[sflag:s28] =	ssyncadd.s32 $0xFFFFE000  }
0x6d: {  	[spmem:s2] =	stream.indirect.scatter.add.bf16 [tilespmem:s21], [sflag:$0x7], $0x40, s3, s17, $0xb8;
	[tilespmem:$0x16D40] =	vst v63  }
0x6e: {  	_ =	swait.ge [sflag:s29], $0x2000  }
0x6f: {  	[sflag:s29] =	ssyncset.done $0x0  }
0x70: {  	s3 =	sadd.s32 $0x200, s23;
	[sflag:s29] =	ssyncadd.s32 $0xFFFFE000  }
0x71: {  	[tilespmem:s16], [sflag:$0x1] =	stream.indirect.gather [hbm4b:s4+s17], $0x40, s3, s17, $0xb8;
	[tilespmem:$0x16D40] =	vst v63  }
0x72: {  	_ =	swait.ge [sflag:s30], $0x2000  }
0x73: {  	[sflag:s30] =	ssyncset.done $0x0  }
0x74: {  	s3 =	sadd.s32 $0x2900, s23;
	[sflag:s30] =	ssyncadd.s32 $0xFFFFE000  }
0x75: {  	[spmem:s2] =	stream.indirect.scatter.add.bf16 [tilespmem:s26], [sflag:$0x8], $0x40, s3, s17, $0xb8;
	[tilespmem:$0x16D40] =	vst v63  }
0x76: {  	_ =	swait.ge [sflag:s31], $0x2000  }
0x77: {  	[sflag:s31] =	ssyncset.done $0x0  }
0x78: {  	s3 =	sadd.s32 $0x280, s23;
	[sflag:s31] =	ssyncadd.s32 $0xFFFFE000  }
0x79: {  	[tilespmem:s18], [sflag:$0x2] =	stream.indirect.gather [hbm4b:s4+s17], $0x40, s3, s17, $0xb8;
	[tilespmem:$0x16D40] =	vst v63  }
0x7a: {  	_ =	swait.ge [sflag:s19], $0x2000  }
0x7b: {  	[sflag:s19] =	ssyncset.done $0x0  }
0x7c: {  	s3 =	sadd.s32 $0x2980, s23;
	[sflag:s19] =	ssyncadd.s32 $0xFFFFE000  }
0x7d: {  	[spmem:s2] =	stream.indirect.scatter.add.bf16 [tilespmem:s16], [sflag:$0x5], $0x40, s3, s17, $0xb8;
	[tilespmem:$0x16D40] =	vst v63  }
0x7e: {  	_ =	swait.ge [sflag:s1], $0x2000  }
0x7f: {  	[sflag:s1] =	ssyncset.done $0x0  }
0x80: {  	s3 =	sadd.s32 $0x300, s23;
	[sflag:s1] =	ssyncadd.s32 $0xFFFFE000  }
0x81: {  	[tilespmem:s21], [sflag:$0x3] =	stream.indirect.gather [hbm4b:s4+s17], $0x40, s3, s17, $0xb8;
	[tilespmem:$0x16D40] =	vst v63  }
0x82: {  	_ =	swait.ge [sflag:s22], $0x2000  }
0x83: {  	[sflag:s22] =	ssyncset.done $0x0  }
.Ltmp1:
0x84: {  	s3 =	sadd.s32 $0x2A00, s23;
	[sflag:s22] =	ssyncadd.s32 $0xFFFFE000;
	(pc) =	sbr.rel @p0 .LBB2_4-.Ltmp1, $4  }
0x85: {  	[spmem:s2] =	stream.indirect.scatter.add.bf16 [tilespmem:s18], [sflag:$0x6], $0x40, s3, s17, $0xb8;
	[tilespmem:$0x16D40] =	vst v63  }
0x86: {  	_ =	swait.ge [sflag:s0], $0x2000  }
0x87: {  	[sflag:s0] =	ssyncset.done $0x0  }
0x88: {  	s23 =	sadd.s32 $0x380, s23;
	[sflag:s0] =	ssyncadd.s32 $0xFFFFE000  }
0x89: {  	[tilespmem:s26], [sflag:$0x4] =	stream.indirect.gather [hbm4b:s4+s17], $0x40, s23, s17, $0xb8;
	[tilespmem:$0x16D40] =	vst v63  }
0x8a: {  	_ =	swait.ge [sflag:s28], $0x2000  }
0x8b: {  	[sflag:s28] =	ssyncset.done $0x0  }
0x8c: {  	s3 =	simm.s32 $0x4C80;
	[sflag:s28] =	ssyncadd.s32 $0xFFFFE000  }
0x8d: {  	[spmem:s2] =	stream.indirect.scatter.add.bf16 [tilespmem:s21], [sflag:$0x7], $0x40, s3, s17, $0xb8;
	[tilespmem:$0x16D40] =	vst v63  }
0x8e: {  	_ =	swait.ge [sflag:s29], $0x2000  }
0x8f: {  	[sflag:s29] =	ssyncset.done $0x0  }
0x90: {  	s20 =	simm.s32 $0x2600;
	[sflag:s29] =	ssyncadd.s32 $0xFFFFE000  }
0x91: {  	[tilespmem:s16], [sflag:$0x1] =	stream.indirect.gather [hbm4b:s4+s17], $0x40, s20, s17, $0xb8;
	[tilespmem:$0x16D40] =	vst v63  }
0x92: {  	_ =	swait.ge [sflag:s30], $0x2000  }
0x93: {  	[sflag:s30] =	ssyncset.done $0x0  }
0x94: {  	s23 =	simm.s32 $0x4D00;
	[sflag:s30] =	ssyncadd.s32 $0xFFFFE000  }
0x95: {  	[spmem:s2] =	stream.indirect.scatter.add.bf16 [tilespmem:s26], [sflag:$0x8], $0x40, s23, s17, $0xb8;
	[tilespmem:$0x16D40] =	vst v63  }
0x96: {  	_ =	swait.ge [sflag:s31], $0x2000  }
0x97: {  	[sflag:s31] =	ssyncset.done $0x0  }
0x98: {  	s20 =	simm.s32 $0x2680;
	[sflag:s31] =	ssyncadd.s32 $0xFFFFE000  }
0x99: {  	[tilespmem:s18], [sflag:$0x2] =	stream.indirect.gather [hbm4b:s4+s17], $0x40, s20, s17, $0xb8;
	[tilespmem:$0x16D40] =	vst v63  }
0x9a: {  	_ =	swait.ge [sflag:s19], $0x2000  }
0x9b: {  	[sflag:s19] =	ssyncset.done $0x0  }
0x9c: {  	s23 =	simm.s32 $0x4D80;
	[sflag:s19] =	ssyncadd.s32 $0xFFFFE000  }
0x9d: {  	[spmem:s2] =	stream.indirect.scatter.add.bf16 [tilespmem:s16], [sflag:$0x5], $0x40, s23, s17, $0xb8;
	[tilespmem:$0x16D40] =	vst v63  }
0x9e: {  	_ =	swait.ge [sflag:s1], $0x2000  }
0x9f: {  	[sflag:s1] =	ssyncset.done $0x0  }
0xa0: {  	s20 =	simm.s32 $0x2700;
	[sflag:s1] =	ssyncadd.s32 $0xFFFFE000  }
0xa1: {  	[tilespmem:s21], [sflag:$0x3] =	stream.indirect.gather [hbm4b:s4+s17], $0x40, s20, s17, $0xb8;
	[tilespmem:$0x16D40] =	vst v63  }
0xa2: {  	_ =	swait.ge [sflag:s22], $0x2000  }
0xa3: {  	[sflag:s22] =	ssyncset.done $0x0  }
0xa4: {  	s23 =	simm.s32 $0x4E00;
	[sflag:s22] =	ssyncadd.s32 $0xFFFFE000  }
0xa5: {  	[spmem:s2] =	stream.indirect.scatter.add.bf16 [tilespmem:s18], [sflag:$0x6], $0x40, s23, s17, $0xb8;
	[tilespmem:$0x16D40] =	vst v63  }
0xa6: {  	_ =	swait.ge [sflag:s0], $0x2000  }
0xa7: {  	[sflag:s0] =	ssyncset.done $0x0  }
0xa8: {  	[sflag:s0] =	ssyncadd.s32 $0xFFFFE000  }
0xa9: {  	_ =	swait.ge [sflag:s28], $0x2000  }
0xaa: {  	[sflag:s28] =	ssyncset.done $0x0  }
0xab: {  	s20 =	simm.s32 $0x4E80;
	[sflag:s28] =	ssyncadd.s32 $0xFFFFE000  }
0xac: {  	[spmem:s2] =	stream.indirect.scatter.add.bf16 [tilespmem:s21], [sflag:$0x7], $0x40, s20, s17, $0xb8;
	[tilespmem:$0x16D40] =	vst v63  }
0xad: {  	_ =	swait.ge [sflag:s29], $0x2000  }
0xae: {  	[sflag:s29] =	ssyncset.done $0x0  }
0xaf: {  	[sflag:s29] =	ssyncadd.s32 $0xFFFFE000  }
0xb0: {  	_ =	swait.ge [sflag:s31], $0x2000  }
0xb1: {  	[sflag:s31] =	ssyncset.done $0x0  }
0xb2: {  	[sflag:s31] =	ssyncadd.s32 $0xFFFFE000  }
0xb3: {  	_ =	swait.ge [sflag:s1], $0x2000  }
0xb4: {  	s24 =	sadd.s32 $0x1, s24;
	s23 =	stileid.u32;
	[sflag:s1] =	ssyncset.done $0x0  }
0xb5: {  	p0 =	sne.s32 s24, s10;
	s3 =	sshll.u32 s23, $0x6;
	[sflag:s1] =	ssyncadd.s32 $0xFFFFE000  }
.Ltmp2:
0xb6: {  	s3 =	sor.u32 $0x1C09, s3;
	[bflag:$0x0] =	sbarrier.arrive $0xFFFF;
	(pc) =	sbr.rel @p0 .LBB2_1-.Ltmp2, $4  }
0xb7: {  	[hbm:s9], [sflag:s3] =	dma.local [spmem:s25], $0x1388  }
0xb8: {  	_ =	swait.ge [sflag:s14], $0x1388  }
0xb9: {  	[sflag:s14] =	ssyncset.done $0x0  }
0xba: {  	[sflag:s14] =	ssyncadd.s32 $0xFFFFEC78  }
0xbb: {  	_ =	sfence.sel $0x180000  }
0xbc: {  	[bflag:$0x0] =	sbarrier.arrive $0xFFFF  }
0xbd: {  	_ =	strace $0x9000004A  }
0xbe: {  	s0 =	stileid.u32;
	[bflag:$0x2] =	sbarrier.arrive $0xFFFF  }
0xbf: {  	p0 =	sne.s32 s0, $0x0;
	s0 =	rddreg [dreg:$0x3]  }
0xc0: {  	s0 =	sadd.s32 @!p0 $0x100000, s0  }
0xc1: {  	[sflag:s0] =	ssyncadd.tile.s32 @!p0 $0x1;
	_ =	shalt  }
.Lfunc_end2:
_tile_overlayer_lowered:
.L_overlay_start_2:
0xc2: {  	(tag) =	ssettag $0x2  }
0xc3: {  	s0 =	rddreg [dreg:$0x0];
	s2 =	stileid.u32  }
0xc4: {  	s1 =	rddreg [dreg:$0x1];
	p0 =	sne.s32 s2, $0x0  }
0xc5: {  	s3 =	rddreg [dreg:$0x2];
	[bflag:$0x3] =	sbarrier.arrive $0xFFFF;
	s2 =	simm.s32 @!p0 $0x1C09  }
0xc6: {  	[timem:s3], [sflag:s2] =	dma.local @!p0 [hbm:s0], s1  }
0xc7: {  	s0 =	simm.s32 @!p0 $0x9  }
0xc8: {  	_ =	swait.ge @!p0 [sflag:s0], s1  }
0xc9: {  	s1 =	ssub.s32 @!p0 $0x0, s1;
	[sflag:s0] =	ssyncset.done @!p0 $0x0  }
0xca: {  	[sflag:s0] =	ssyncadd.s32 @!p0 s1  }
0xcb: {  	[bflag:$0x3] =	sbarrier.arrive $0xFFFF  }
0xcc: {  	_ =	shalt  }

</sc_bundles>
